<compile_context>
chip_gen: v7x
topology: tpu7x:2x2x1
jax: 0.10.2.dev20260603
libtpu: 0.0.44.dev20260713+nightly
codegen_flags: <defaults>
</compile_context>

<pallas_src>
import functools

import jax
import jax.numpy as jnp
from jax import lax
from jax.experimental import pallas as pl
from jax.experimental.pallas import tpu as pltpu
from jax.experimental.pallas import tpu_sc as plsc

B = 4096
D = 64

_info = plsc.get_sparse_core_info()
_NC = _info.num_cores
_NS = _info.num_subcores
_NW = _NC * _NS
_BPW = B // _NW
_CH = 16
_NCH = _BPW // _CH


@functools.partial(
    pl.kernel,
    mesh=plsc.VectorSubcoreMesh(core_axis_name="c", subcore_axis_name="s"),
    out_type=[
        jax.ShapeDtypeStruct((B, D), jnp.float32),
        jax.ShapeDtypeStruct((B, D), jnp.float32),
    ],
    scratch_types=[
        pltpu.VMEM((_BPW,), jnp.int32),
        pltpu.VMEM((_BPW,), jnp.int32),
        pltpu.VMEM((_BPW, D), jnp.float32),
        pltpu.VMEM((_BPW, D), jnp.float32),
        pltpu.SemaphoreType.DMA,
        pltpu.SemaphoreType.DMA,
    ],
    compiler_params=pltpu.CompilerParams(use_tc_tiling_on_sc=True),
)
def _sc_gather_rows(uid_hbm, iid_hbm, uemb_hbm, iemb_hbm,
                    urows_hbm, irows_hbm,
                    uid_v, iid_v, urows_v, irows_v, sem_u, sem_i):
    wid = lax.axis_index("s") * _NC + lax.axis_index("c")
    base = wid * _BPW
    sl = pl.ds(base, _BPW)
    pltpu.sync_copy(uid_hbm.at[sl], uid_v)
    pltpu.sync_copy(iid_hbm.at[sl], iid_v)

    def chunk(c, carry):
        uvec = uid_v[pl.ds(c * _CH, _CH)]
        ivec = iid_v[pl.ds(c * _CH, _CH)]
        descs = []
        for k in range(_CH):
            r = c * _CH + k
            dst = pl.ds(r, 1)
            descs.append(pltpu.async_copy(
                uemb_hbm.at[pl.ds(uvec[k], 1)], urows_v.at[dst], sem_u))
            descs.append(pltpu.async_copy(
                iemb_hbm.at[pl.ds(ivec[k], 1)], irows_v.at[dst], sem_i))
        for dsc in descs:
            dsc.wait()
        return carry

    lax.fori_loop(0, _NCH, chunk, 0)
    pltpu.sync_copy(urows_v, urows_hbm.at[sl])
    pltpu.sync_copy(irows_v, irows_hbm.at[sl])


@functools.partial(
    pl.kernel,
    mesh=plsc.VectorSubcoreMesh(core_axis_name="c", subcore_axis_name="s"),
    out_type=[
        jax.ShapeDtypeStruct((B,), jnp.float32),
        jax.ShapeDtypeStruct((B,), jnp.float32),
    ],
    scratch_types=[
        pltpu.VMEM((_BPW,), jnp.int32),
        pltpu.VMEM((_BPW,), jnp.int32),
        pltpu.VMEM((_BPW,), jnp.float32),
        pltpu.VMEM((_BPW,), jnp.float32),
        pltpu.SemaphoreType.DMA,
    ],
    compiler_params=pltpu.CompilerParams(use_tc_tiling_on_sc=False),
)
def _sc_gather_bias(uid_hbm, iid_hbm, ub_hbm, ib_hbm, ubg_hbm, ibg_hbm,
                    uid_v, iid_v, ub_v, ib_v, sem):
    wid = lax.axis_index("s") * _NC + lax.axis_index("c")
    base = wid * _BPW
    sl = pl.ds(base, _BPW)
    pltpu.sync_copy(uid_hbm.at[sl], uid_v)
    pltpu.sync_copy(iid_hbm.at[sl], iid_v)
    pltpu.async_copy(ub_hbm.at[uid_v], ub_v, sem).wait()
    pltpu.async_copy(ib_hbm.at[iid_v], ib_v, sem).wait()
    pltpu.sync_copy(ub_v, ubg_hbm.at[sl])
    pltpu.sync_copy(ib_v, ibg_hbm.at[sl])


_RPB = 512


def _tc_rowcol_body(u_ref, i_ref, ub_ref, ib_ref, gb_ref,
                    row_ref, col_ref):
    row_ref[...] = jnp.sum(u_ref[...] * i_ref[...],
                           axis=1)[None, :] + gb_ref[0]
    col_ref[...] = ub_ref[...] + ib_ref[...]


def _tc_rowcol(urows, irows, ubg, ibg, global_bias):
    return pl.pallas_call(
        _tc_rowcol_body,
        in_specs=[
            pl.BlockSpec((B, D), lambda: (0, 0)),
            pl.BlockSpec((B, D), lambda: (0, 0)),
            pl.BlockSpec((B, 1), lambda: (0, 0)),
            pl.BlockSpec((B, 1), lambda: (0, 0)),
            pl.BlockSpec(memory_space=pltpu.SMEM),
        ],
        out_specs=[
            pl.BlockSpec((1, B), lambda: (0, 0)),
            pl.BlockSpec((B, 1), lambda: (0, 0)),
        ],
        out_shape=[
            jax.ShapeDtypeStruct((1, B), jnp.float32),
            jax.ShapeDtypeStruct((B, 1), jnp.float32),
        ],
    )(urows, irows, ubg, ibg, global_bias)


def _tc_bcast_body(col_ref, row_ref, out_ref):
    out_ref[...] = col_ref[...] + row_ref[...]


def _tc_broadcast(row, col):
    return pl.pallas_call(
        _tc_bcast_body,
        grid=(B // _RPB,),
        in_specs=[
            pl.BlockSpec((_RPB, 1), lambda i: (i, 0)),
            pl.BlockSpec((1, B), lambda i: (0, 0)),
        ],
        out_specs=pl.BlockSpec((_RPB, B), lambda i: (i, 0)),
        out_shape=jax.ShapeDtypeStruct((B, B), jnp.float32),
    )(col, row)


def kernel(user_ids, item_ids, user_emb_table, item_emb_table,
           user_bias_table, item_bias_table, global_bias):
    uid = user_ids.astype(jnp.int32)
    iid = item_ids.astype(jnp.int32)
    urows, irows = _sc_gather_rows(uid, iid, user_emb_table, item_emb_table)
    ubg, ibg = _sc_gather_bias(uid, iid, user_bias_table[:, 0],
                               item_bias_table[:, 0])
    row, col = _tc_rowcol(urows, irows, ubg.reshape(B, 1), ibg.reshape(B, 1),
                          global_bias)
    return _tc_broadcast(row, col)

# --- scband reference (transcript-rebuilt; emitter-appended) ---
"""Pipeline reference for scband-recommender-model-90735479095836 (READ-ONLY COPY).

The authoritative reference and input builder live on the scoring server;
editing this copy changes nothing except your own understanding.
"""

import jax, jax.numpy as jnp
import numpy as np

N_USERS = 1000000
N_ITEMS = 100000
EMB_DIM = 64
BATCH = 4096


def setup_inputs(seed: int = 0) -> dict:
    key = jax.random.key(seed)
    k1, k2, k3, k4 = jax.random.split(key, 4)
    user_ids = jax.random.randint(k1, (BATCH,), 0, N_USERS, dtype=jnp.int64) if jax.config.jax_enable_x64 else jax.random.randint(k1, (BATCH,), 0, N_USERS, dtype=jnp.int32)
    item_ids = jax.random.randint(k2, (BATCH,), 0, N_ITEMS, dtype=jnp.int32)
    user_emb_table = jax.random.normal(k3, (N_USERS, EMB_DIM), dtype=jnp.float32) * 0.01
    item_emb_table = jax.random.normal(k4, (N_ITEMS, EMB_DIM), dtype=jnp.float32) * 0.01
    user_bias_table = jnp.zeros((N_USERS, 1), dtype=jnp.float32)
    item_bias_table = jnp.zeros((N_ITEMS, 1), dtype=jnp.float32)
    global_bias = jnp.zeros((1,), dtype=jnp.float32)
    return {
        'user_ids': user_ids,
        'item_ids': item_ids,
        'user_emb_table': user_emb_table,
        'item_emb_table': item_emb_table,
        'user_bias_table': user_bias_table,
        'item_bias_table': item_bias_table,
        'global_bias': global_bias,
    }


def reference(user_ids, item_ids, user_emb_table, item_emb_table, user_bias_table, item_bias_table, global_bias):
    # Embedding gathers (SparseCore-mappable)
    user_emb = jnp.take(user_emb_table, user_ids, axis=0)      # [B, D]
    item_emb = jnp.take(item_emb_table, item_ids, axis=0)      # [B, D]
    interaction = jnp.sum(user_emb * item_emb, axis=1)         # [B]
    user_b = jnp.take(user_bias_table, user_ids, axis=0)       # [B, 1]
    item_b = jnp.take(item_bias_table, item_ids, axis=0)       # [B, 1]
    # Faithful to the torch code: [B] + [B,1] broadcasts to [B,B]
    prediction = interaction + user_b + item_b + global_bias   # [B, B]
    return prediction

if __name__ == "__main__":
    import jax
    _d = setup_inputs()
    print(jax.jit(kernel)(*tuple(_d.values())))

</pallas_src>

<mosaic_0001>
#map = affine_map<(d0, d1) -> (0)>
module attributes {stable_mosaic.version = 14 : i64} {
  func.func @_sc_gather_bias(%arg0: i32, %arg1: i32, %arg2: memref<4096xi32, #tpu.memory_space<hbm>>, %arg3: memref<4096xi32, #tpu.memory_space<hbm>>, %arg4: memref<1000000xf32, #tpu.memory_space<hbm>>, %arg5: memref<100000xf32, #tpu.memory_space<hbm>>, %arg6: memref<4096xf32, #tpu.memory_space<hbm>>, %arg7: memref<4096xf32, #tpu.memory_space<hbm>>, %arg8: memref<128xi32, #tpu.memory_space<vmem>>, %arg9: memref<128xi32, #tpu.memory_space<vmem>>, %arg10: memref<128xf32, #tpu.memory_space<vmem>>, %arg11: memref<128xf32, #tpu.memory_space<vmem>>, %arg12: memref<!tpu.dma_semaphore, #tpu.memory_space<semaphore_mem>>) attributes {dimension_semantics = [#tpu.dimension_semantics<core_parallel>, #tpu.dimension_semantics<subcore_parallel>], iteration_bounds = array<i64: 2, 16>, scalar_prefetch = 0 : i64, scratch_operands = 5 : i64, tpu.core_type = #tpu.core_type<sc_vector_subcore>, window_params = [{transform_indices = #map}, {transform_indices = #map}, {transform_indices = #map}, {transform_indices = #map}, {transform_indices = #map}, {transform_indices = #map}]} {
    %mul3A = arith.constant 2 : i32
    %mul3A_0 = arith.muli %arg1, %mul3A : i32
    %add3A = arith.addi %mul3A_0, %arg0 : i32
    %mul3A_1 = arith.constant 128 : i32
    %mul3A_2 = arith.muli %add3A, %mul3A_1 : i32
    "tpu.region"() ({
      %run_scoped3A = tpu.sem_alloc : memref<!tpu.dma_semaphore, #tpu.memory_space<semaphore_mem>>
      %dma_start3A_9 = tpu.memref_slice %arg2[%mul3A_2] : memref<4096xi32, #tpu.memory_space<hbm>> -> memref<128xi32, #tpu.memory_space<hbm>>
      %dma_start3A_10 = tpu.memref_slice %arg2[%mul3A_2] : memref<4096xi32, #tpu.memory_space<hbm>> -> memref<128xi32, #tpu.memory_space<hbm>>
      tpu.enqueue_dma source(%dma_start3A_10 : memref<128xi32, #tpu.memory_space<hbm>>) target(%arg8 : memref<128xi32, #tpu.memory_space<vmem>>) target_semaphore(%run_scoped3A : memref<!tpu.dma_semaphore, #tpu.memory_space<semaphore_mem>>)
      %dma_wait3A_11 = tpu.memref_slice %arg2[%mul3A_2] : memref<4096xi32, #tpu.memory_space<hbm>> -> memref<128xi32, #tpu.memory_space<hbm>>
      %dma_wait3A_12 = tpu.memref_slice %arg2[%mul3A_2] : memref<4096xi32, #tpu.memory_space<hbm>> -> memref<128xi32, #tpu.memory_space<hbm>>
      tpu.wait_dma2 semaphore(%run_scoped3A : memref<!tpu.dma_semaphore, #tpu.memory_space<semaphore_mem>>) src(%dma_wait3A_12 : memref<128xi32, #tpu.memory_space<hbm>>) dst(%arg8 : memref<128xi32, #tpu.memory_space<vmem>>)
      tpu.yield
    }) : () -> ()
    "tpu.region"() ({
      %run_scoped3A = tpu.sem_alloc : memref<!tpu.dma_semaphore, #tpu.memory_space<semaphore_mem>>
      %dma_start3A_9 = tpu.memref_slice %arg3[%mul3A_2] : memref<4096xi32, #tpu.memory_space<hbm>> -> memref<128xi32, #tpu.memory_space<hbm>>
      %dma_start3A_10 = tpu.memref_slice %arg3[%mul3A_2] : memref<4096xi32, #tpu.memory_space<hbm>> -> memref<128xi32, #tpu.memory_space<hbm>>
      tpu.enqueue_dma source(%dma_start3A_10 : memref<128xi32, #tpu.memory_space<hbm>>) target(%arg9 : memref<128xi32, #tpu.memory_space<vmem>>) target_semaphore(%run_scoped3A : memref<!tpu.dma_semaphore, #tpu.memory_space<semaphore_mem>>)
      %dma_wait3A_11 = tpu.memref_slice %arg3[%mul3A_2] : memref<4096xi32, #tpu.memory_space<hbm>> -> memref<128xi32, #tpu.memory_space<hbm>>
      %dma_wait3A_12 = tpu.memref_slice %arg3[%mul3A_2] : memref<4096xi32, #tpu.memory_space<hbm>> -> memref<128xi32, #tpu.memory_space<hbm>>
      tpu.wait_dma2 semaphore(%run_scoped3A : memref<!tpu.dma_semaphore, #tpu.memory_space<semaphore_mem>>) src(%dma_wait3A_12 : memref<128xi32, #tpu.memory_space<hbm>>) dst(%arg9 : memref<128xi32, #tpu.memory_space<vmem>>)
      tpu.yield
    }) : () -> ()
    %dma_start3A = arith.constant 0 : i32
    %dma_start3A_3 = tpu.memref_slice %arg4[%dma_start3A] : memref<1000000xf32, #tpu.memory_space<hbm>> -> memref<1000000xf32, #tpu.memory_space<hbm>>
    tpu.enqueue_indirect_dma source(%dma_start3A_3 : memref<1000000xf32, #tpu.memory_space<hbm>>) target(%arg10 : memref<128xf32, #tpu.memory_space<vmem>>) offsets(%arg8 : memref<128xi32, #tpu.memory_space<vmem>>) semaphore(%arg12 : memref<!tpu.dma_semaphore, #tpu.memory_space<semaphore_mem>>)
    %dma_wait3A = arith.constant 0 : i32
    %dma_wait3A_4 = tpu.memref_slice %arg4[%dma_wait3A] : memref<1000000xf32, #tpu.memory_space<hbm>> -> memref<1000000xf32, #tpu.memory_space<hbm>>
    tpu.wait_indirect_dma semaphore(%arg12 : memref<!tpu.dma_semaphore, #tpu.memory_space<semaphore_mem>>) src(%dma_wait3A_4 : memref<1000000xf32, #tpu.memory_space<hbm>>) dst(%arg10 : memref<128xf32, #tpu.memory_space<vmem>>)
    %dma_start3A_5 = arith.constant 0 : i32
    %dma_start3A_6 = tpu.memref_slice %arg5[%dma_start3A_5] : memref<100000xf32, #tpu.memory_space<hbm>> -> memref<100000xf32, #tpu.memory_space<hbm>>
    tpu.enqueue_indirect_dma source(%dma_start3A_6 : memref<100000xf32, #tpu.memory_space<hbm>>) target(%arg11 : memref<128xf32, #tpu.memory_space<vmem>>) offsets(%arg9 : memref<128xi32, #tpu.memory_space<vmem>>) semaphore(%arg12 : memref<!tpu.dma_semaphore, #tpu.memory_space<semaphore_mem>>)
    %dma_wait3A_7 = arith.constant 0 : i32
    %dma_wait3A_8 = tpu.memref_slice %arg5[%dma_wait3A_7] : memref<100000xf32, #tpu.memory_space<hbm>> -> memref<100000xf32, #tpu.memory_space<hbm>>
    tpu.wait_indirect_dma semaphore(%arg12 : memref<!tpu.dma_semaphore, #tpu.memory_space<semaphore_mem>>) src(%dma_wait3A_8 : memref<100000xf32, #tpu.memory_space<hbm>>) dst(%arg11 : memref<128xf32, #tpu.memory_space<vmem>>)
    "tpu.region"() ({
      %run_scoped3A = tpu.sem_alloc : memref<!tpu.dma_semaphore, #tpu.memory_space<semaphore_mem>>
      %dma_start3A_9 = tpu.memref_slice %arg6[%mul3A_2] : memref<4096xf32, #tpu.memory_space<hbm>> -> memref<128xf32, #tpu.memory_space<hbm>>
      %dma_start3A_10 = tpu.memref_slice %arg6[%mul3A_2] : memref<4096xf32, #tpu.memory_space<hbm>> -> memref<128xf32, #tpu.memory_space<hbm>>
      tpu.enqueue_dma source(%arg10 : memref<128xf32, #tpu.memory_space<vmem>>) target(%dma_start3A_10 : memref<128xf32, #tpu.memory_space<hbm>>) target_semaphore(%run_scoped3A : memref<!tpu.dma_semaphore, #tpu.memory_space<semaphore_mem>>)
      %dma_wait3A_11 = tpu.memref_slice %arg6[%mul3A_2] : memref<4096xf32, #tpu.memory_space<hbm>> -> memref<128xf32, #tpu.memory_space<hbm>>
      %dma_wait3A_12 = tpu.memref_slice %arg6[%mul3A_2] : memref<4096xf32, #tpu.memory_space<hbm>> -> memref<128xf32, #tpu.memory_space<hbm>>
      tpu.wait_dma2 semaphore(%run_scoped3A : memref<!tpu.dma_semaphore, #tpu.memory_space<semaphore_mem>>) src(%arg10 : memref<128xf32, #tpu.memory_space<vmem>>) dst(%dma_wait3A_12 : memref<128xf32, #tpu.memory_space<hbm>>)
      tpu.yield
    }) : () -> ()
    "tpu.region"() ({
      %run_scoped3A = tpu.sem_alloc : memref<!tpu.dma_semaphore, #tpu.memory_space<semaphore_mem>>
      %dma_start3A_9 = tpu.memref_slice %arg7[%mul3A_2] : memref<4096xf32, #tpu.memory_space<hbm>> -> memref<128xf32, #tpu.memory_space<hbm>>
      %dma_start3A_10 = tpu.memref_slice %arg7[%mul3A_2] : memref<4096xf32, #tpu.memory_space<hbm>> -> memref<128xf32, #tpu.memory_space<hbm>>
      tpu.enqueue_dma source(%arg11 : memref<128xf32, #tpu.memory_space<vmem>>) target(%dma_start3A_10 : memref<128xf32, #tpu.memory_space<hbm>>) target_semaphore(%run_scoped3A : memref<!tpu.dma_semaphore, #tpu.memory_space<semaphore_mem>>)
      %dma_wait3A_11 = tpu.memref_slice %arg7[%mul3A_2] : memref<4096xf32, #tpu.memory_space<hbm>> -> memref<128xf32, #tpu.memory_space<hbm>>
      %dma_wait3A_12 = tpu.memref_slice %arg7[%mul3A_2] : memref<4096xf32, #tpu.memory_space<hbm>> -> memref<128xf32, #tpu.memory_space<hbm>>
      tpu.wait_dma2 semaphore(%run_scoped3A : memref<!tpu.dma_semaphore, #tpu.memory_space<semaphore_mem>>) src(%arg11 : memref<128xf32, #tpu.memory_space<vmem>>) dst(%dma_wait3A_12 : memref<128xf32, #tpu.memory_space<hbm>>)
      tpu.yield
    }) : () -> ()
    return
  }
}

#map = affine_map<(d0, d1) -> (0)>
#map1 = affine_map<(d0, d1) -> (0, 0)>
module attributes {stable_mosaic.version = 14 : i64} {
  func.func @_sc_gather_rows(%arg0: i32, %arg1: i32, %arg2: memref<4096xi32, #tpu.memory_space<hbm>>, %arg3: memref<4096xi32, #tpu.memory_space<hbm>>, %arg4: memref<1000000x64xf32, #tpu.memory_space<hbm>>, %arg5: memref<100000x64xf32, #tpu.memory_space<hbm>>, %arg6: memref<4096x64xf32, #tpu.memory_space<hbm>>, %arg7: memref<4096x64xf32, #tpu.memory_space<hbm>>, %arg8: memref<128xi32, #tpu.memory_space<vmem>>, %arg9: memref<128xi32, #tpu.memory_space<vmem>>, %arg10: memref<128x64xf32, #tpu.memory_space<vmem>>, %arg11: memref<128x64xf32, #tpu.memory_space<vmem>>, %arg12: memref<!tpu.dma_semaphore, #tpu.memory_space<semaphore_mem>>, %arg13: memref<!tpu.dma_semaphore, #tpu.memory_space<semaphore_mem>>) attributes {dimension_semantics = [#tpu.dimension_semantics<core_parallel>, #tpu.dimension_semantics<subcore_parallel>], iteration_bounds = array<i64: 2, 16>, scalar_prefetch = 0 : i64, scratch_operands = 6 : i64, tpu.core_type = #tpu.core_type<sc_vector_subcore>, window_params = [{transform_indices = #map}, {transform_indices = #map}, {transform_indices = #map1}, {transform_indices = #map1}, {transform_indices = #map1}, {transform_indices = #map1}]} {
    %mul3A = arith.constant 2 : i32
    %mul3A_0 = arith.muli %arg1, %mul3A : i32
    %add3A = arith.addi %mul3A_0, %arg0 : i32
    %mul3A_1 = arith.constant 128 : i32
    %mul3A_2 = arith.muli %add3A, %mul3A_1 : i32
    "tpu.region"() ({
      %run_scoped3A = tpu.sem_alloc : memref<!tpu.dma_semaphore, #tpu.memory_space<semaphore_mem>>
      %dma_start3A = tpu.memref_slice %arg2[%mul3A_2] : memref<4096xi32, #tpu.memory_space<hbm>> -> memref<128xi32, #tpu.memory_space<hbm>>
      %dma_start3A_8 = tpu.memref_slice %arg2[%mul3A_2] : memref<4096xi32, #tpu.memory_space<hbm>> -> memref<128xi32, #tpu.memory_space<hbm>>
      tpu.enqueue_dma source(%dma_start3A_8 : memref<128xi32, #tpu.memory_space<hbm>>) target(%arg8 : memref<128xi32, #tpu.memory_space<vmem>>) target_semaphore(%run_scoped3A : memref<!tpu.dma_semaphore, #tpu.memory_space<semaphore_mem>>)
      %dma_wait3A = tpu.memref_slice %arg2[%mul3A_2] : memref<4096xi32, #tpu.memory_space<hbm>> -> memref<128xi32, #tpu.memory_space<hbm>>
      %dma_wait3A_9 = tpu.memref_slice %arg2[%mul3A_2] : memref<4096xi32, #tpu.memory_space<hbm>> -> memref<128xi32, #tpu.memory_space<hbm>>
      tpu.wait_dma2 semaphore(%run_scoped3A : memref<!tpu.dma_semaphore, #tpu.memory_space<semaphore_mem>>) src(%dma_wait3A_9 : memref<128xi32, #tpu.memory_space<hbm>>) dst(%arg8 : memref<128xi32, #tpu.memory_space<vmem>>)
      tpu.yield
    }) : () -> ()
    "tpu.region"() ({
      %run_scoped3A = tpu.sem_alloc : memref<!tpu.dma_semaphore, #tpu.memory_space<semaphore_mem>>
      %dma_start3A = tpu.memref_slice %arg3[%mul3A_2] : memref<4096xi32, #tpu.memory_space<hbm>> -> memref<128xi32, #tpu.memory_space<hbm>>
      %dma_start3A_8 = tpu.memref_slice %arg3[%mul3A_2] : memref<4096xi32, #tpu.memory_space<hbm>> -> memref<128xi32, #tpu.memory_space<hbm>>
      tpu.enqueue_dma source(%dma_start3A_8 : memref<128xi32, #tpu.memory_space<hbm>>) target(%arg9 : memref<128xi32, #tpu.memory_space<vmem>>) target_semaphore(%run_scoped3A : memref<!tpu.dma_semaphore, #tpu.memory_space<semaphore_mem>>)
      %dma_wait3A = tpu.memref_slice %arg3[%mul3A_2] : memref<4096xi32, #tpu.memory_space<hbm>> -> memref<128xi32, #tpu.memory_space<hbm>>
      %dma_wait3A_9 = tpu.memref_slice %arg3[%mul3A_2] : memref<4096xi32, #tpu.memory_space<hbm>> -> memref<128xi32, #tpu.memory_space<hbm>>
      tpu.wait_dma2 semaphore(%run_scoped3A : memref<!tpu.dma_semaphore, #tpu.memory_space<semaphore_mem>>) src(%dma_wait3A_9 : memref<128xi32, #tpu.memory_space<hbm>>) dst(%arg9 : memref<128xi32, #tpu.memory_space<vmem>>)
      tpu.yield
    }) : () -> ()
    %scan3A = arith.constant 0 : i32
    %scan3A_3 = arith.constant 0 : i32
    %scan3A_4 = arith.constant 8 : i32
    %scan3A_5 = arith.addi %scan3A_3, %scan3A_4 : i32
    %scan3A_6 = arith.constant 1 : i32
    scf.for %scan3A_8 = %scan3A_3 to %scan3A_5 step %scan3A_6  : i32 {
      %mul3A_9 = arith.constant 16 : i32
      %mul3A_10 = arith.muli %scan3A_8, %mul3A_9 : i32
      %get3A = arith.index_cast %mul3A_10 : i32 to index
      %get3A_11 = tpu.vector_load %arg8[%get3A] {strides = array<i32>} : memref<128xi32, #tpu.memory_space<vmem>>, vector<16xi32>,
      %get3A_12 = vector.shape_cast %get3A_11 : vector<16xi32> to vector<16xi32>
      %mul3A_13 = arith.constant 16 : i32
      %mul3A_14 = arith.muli %scan3A_8, %mul3A_13 : i32
      %get3A_15 = arith.index_cast %mul3A_14 : i32 to index
      %get3A_16 = tpu.vector_load %arg9[%get3A_15] {strides = array<i32>} : memref<128xi32, #tpu.memory_space<vmem>>, vector<16xi32>,
      %get3A_17 = vector.shape_cast %get3A_16 : vector<16xi32> to vector<16xi32>
      %mul3A_18 = arith.constant 16 : i32
      %mul3A_19 = arith.muli %scan3A_8, %mul3A_18 : i32
      %add3A_20 = arith.constant 0 : i32
      %add3A_21 = arith.addi %mul3A_19, %add3A_20 : i32
      %slice3A = vector.extract_strided_slice %get3A_12 {offsets = [0], sizes = [1], strides = [1]} : vector<16xi32> to vector<1xi32>
      %squeeze3A = vector.extract %slice3A[0] : i32 from vector<1xi32>
      %dma_start3A = arith.constant 0 : i32
      %dma_start3A_22 = tpu.memref_slice %arg10[%add3A_21, %dma_start3A] : memref<128x64xf32, #tpu.memory_space<vmem>> -> memref<1x64xf32, #tpu.memory_space<vmem>>
      %dma_start3A_23 = arith.constant 0 : i32
      %dma_start3A_24 = tpu.memref_slice %arg4[%squeeze3A, %dma_start3A_23] : memref<1000000x64xf32, #tpu.memory_space<hbm>> -> memref<1x64xf32, #tpu.memory_space<hbm>>
      %dma_start3A_25 = arith.constant 0 : i32
      %dma_start3A_26 = tpu.memref_slice %arg10[%add3A_21, %dma_start3A_25] : memref<128x64xf32, #tpu.memory_space<vmem>> -> memref<1x64xf32, #tpu.memory_space<vmem>>
      %dma_start3A_27 = arith.constant 0 : i32
      %dma_start3A_28 = tpu.memref_slice %arg4[%squeeze3A, %dma_start3A_27] : memref<1000000x64xf32, #tpu.memory_space<hbm>> -> memref<1x64xf32, #tpu.memory_space<hbm>>
      tpu.enqueue_dma source(%dma_start3A_28 : memref<1x64xf32, #tpu.memory_space<hbm>>) target(%dma_start3A_26 : memref<1x64xf32, #tpu.memory_space<vmem>>) target_semaphore(%arg12 : memref<!tpu.dma_semaphore, #tpu.memory_space<semaphore_mem>>)
      %slice3A_29 = vector.extract_strided_slice %get3A_17 {offsets = [0], sizes = [1], strides = [1]} : vector<16xi32> to vector<1xi32>
      %squeeze3A_30 = vector.extract %slice3A_29[0] : i32 from vector<1xi32>
      %dma_start3A_31 = arith.constant 0 : i32
      %dma_start3A_32 = tpu.memref_slice %arg11[%add3A_21, %dma_start3A_31] : memref<128x64xf32, #tpu.memory_space<vmem>> -> memref<1x64xf32, #tpu.memory_space<vmem>>
      %dma_start3A_33 = arith.constant 0 : i32
      %dma_start3A_34 = tpu.memref_slice %arg5[%squeeze3A_30, %dma_start3A_33] : memref<100000x64xf32, #tpu.memory_space<hbm>> -> memref<1x64xf32, #tpu.memory_space<hbm>>
      %dma_start3A_35 = arith.constant 0 : i32
      %dma_start3A_36 = tpu.memref_slice %arg11[%add3A_21, %dma_start3A_35] : memref<128x64xf32, #tpu.memory_space<vmem>> -> memref<1x64xf32, #tpu.memory_space<vmem>>
      %dma_start3A_37 = arith.constant 0 : i32
      %dma_start3A_38 = tpu.memref_slice %arg5[%squeeze3A_30, %dma_start3A_37] : memref<100000x64xf32, #tpu.memory_space<hbm>> -> memref<1x64xf32, #tpu.memory_space<hbm>>
      tpu.enqueue_dma source(%dma_start3A_38 : memref<1x64xf32, #tpu.memory_space<hbm>>) target(%dma_start3A_36 : memref<1x64xf32, #tpu.memory_space<vmem>>) target_semaphore(%arg13 : memref<!tpu.dma_semaphore, #tpu.memory_space<semaphore_mem>>)
      %mul3A_39 = arith.constant 16 : i32
      %mul3A_40 = arith.muli %scan3A_8, %mul3A_39 : i32
      %add3A_41 = arith.constant 1 : i32
      %add3A_42 = arith.addi %mul3A_40, %add3A_41 : i32
      %slice3A_43 = vector.extract_strided_slice %get3A_12 {offsets = [1], sizes = [1], strides = [1]} : vector<16xi32> to vector<1xi32>
      %squeeze3A_44 = vector.extract %slice3A_43[0] : i32 from vector<1xi32>
      %dma_start3A_45 = arith.constant 0 : i32
      %dma_start3A_46 = tpu.memref_slice %arg10[%add3A_42, %dma_start3A_45] : memref<128x64xf32, #tpu.memory_space<vmem>> -> memref<1x64xf32, #tpu.memory_space<vmem>>
      %dma_start3A_47 = arith.constant 0 : i32
      %dma_start3A_48 = tpu.memref_slice %arg4[%squeeze3A_44, %dma_start3A_47] : memref<1000000x64xf32, #tpu.memory_space<hbm>> -> memref<1x64xf32, #tpu.memory_space<hbm>>
      %dma_start3A_49 = arith.constant 0 : i32
      %dma_start3A_50 = tpu.memref_slice %arg10[%add3A_42, %dma_start3A_49] : memref<128x64xf32, #tpu.memory_space<vmem>> -> memref<1x64xf32, #tpu.memory_space<vmem>>
      %dma_start3A_51 = arith.constant 0 : i32
      %dma_start3A_52 = tpu.memref_slice %arg4[%squeeze3A_44, %dma_start3A_51] : memref<1000000x64xf32, #tpu.memory_space<hbm>> -> memref<1x64xf32, #tpu.memory_space<hbm>>
      tpu.enqueue_dma source(%dma_start3A_52 : memref<1x64xf32, #tpu.memory_space<hbm>>) target(%dma_start3A_50 : memref<1x64xf32, #tpu.memory_space<vmem>>) target_semaphore(%arg12 : memref<!tpu.dma_semaphore, #tpu.memory_space<semaphore_mem>>)
      %slice3A_53 = vector.extract_strided_slice %get3A_17 {offsets = [1], sizes = [1], strides = [1]} : vector<16xi32> to vector<1xi32>
      %squeeze3A_54 = vector.extract %slice3A_53[0] : i32 from vector<1xi32>
      %dma_start3A_55 = arith.constant 0 : i32
      %dma_start3A_56 = tpu.memref_slice %arg11[%add3A_42, %dma_start3A_55] : memref<128x64xf32, #tpu.memory_space<vmem>> -> memref<1x64xf32, #tpu.memory_space<vmem>>
      %dma_start3A_57 = arith.constant 0 : i32
      %dma_start3A_58 = tpu.memref_slice %arg5[%squeeze3A_54, %dma_start3A_57] : memref<100000x64xf32, #tpu.memory_space<hbm>> -> memref<1x64xf32, #tpu.memory_space<hbm>>
      %dma_start3A_59 = arith.constant 0 : i32
      %dma_start3A_60 = tpu.memref_slice %arg11[%add3A_42, %dma_start3A_59] : memref<128x64xf32, #tpu.memory_space<vmem>> -> memref<1x64xf32, #tpu.memory_space<vmem>>
      %dma_start3A_61 = arith.constant 0 : i32
      %dma_start3A_62 = tpu.memref_slice %arg5[%squeeze3A_54, %dma_start3A_61] : memref<100000x64xf32, #tpu.memory_space<hbm>> -> memref<1x64xf32, #tpu.memory_space<hbm>>
      tpu.enqueue_dma source(%dma_start3A_62 : memref<1x64xf32, #tpu.memory_space<hbm>>) target(%dma_start3A_60 : memref<1x64xf32, #tpu.memory_space<vmem>>) target_semaphore(%arg13 : memref<!tpu.dma_semaphore, #tpu.memory_space<semaphore_mem>>)
      %mul3A_63 = arith.constant 16 : i32
      %mul3A_64 = arith.muli %scan3A_8, %mul3A_63 : i32
      %add3A_65 = arith.constant 2 : i32
      %add3A_66 = arith.addi %mul3A_64, %add3A_65 : i32
      %slice3A_67 = vector.extract_strided_slice %get3A_12 {offsets = [2], sizes = [1], strides = [1]} : vector<16xi32> to vector<1xi32>
      %squeeze3A_68 = vector.extract %slice3A_67[0] : i32 from vector<1xi32>
      %dma_start3A_69 = arith.constant 0 : i32
      %dma_start3A_70 = tpu.memref_slice %arg10[%add3A_66, %dma_start3A_69] : memref<128x64xf32, #tpu.memory_space<vmem>> -> memref<1x64xf32, #tpu.memory_space<vmem>>
      %dma_start3A_71 = arith.constant 0 : i32
      %dma_start3A_72 = tpu.memref_slice %arg4[%squeeze3A_68, %dma_start3A_71] : memref<1000000x64xf32, #tpu.memory_space<hbm>> -> memref<1x64xf32, #tpu.memory_space<hbm>>
      %dma_start3A_73 = arith.constant 0 : i32
      %dma_start3A_74 = tpu.memref_slice %arg10[%add3A_66, %dma_start3A_73] : memref<128x64xf32, #tpu.memory_space<vmem>> -> memref<1x64xf32, #tpu.memory_space<vmem>>
      %dma_start3A_75 = arith.constant 0 : i32
      %dma_start3A_76 = tpu.memref_slice %arg4[%squeeze3A_68, %dma_start3A_75] : memref<1000000x64xf32, #tpu.memory_space<hbm>> -> memref<1x64xf32, #tpu.memory_space<hbm>>
      tpu.enqueue_dma source(%dma_start3A_76 : memref<1x64xf32, #tpu.memory_space<hbm>>) target(%dma_start3A_74 : memref<1x64xf32, #tpu.memory_space<vmem>>) target_semaphore(%arg12 : memref<!tpu.dma_semaphore, #tpu.memory_space<semaphore_mem>>)
      %slice3A_77 = vector.extract_strided_slice %get3A_17 {offsets = [2], sizes = [1], strides = [1]} : vector<16xi32> to vector<1xi32>
      %squeeze3A_78 = vector.extract %slice3A_77[0] : i32 from vector<1xi32>
      %dma_start3A_79 = arith.constant 0 : i32
      %dma_start3A_80 = tpu.memref_slice %arg11[%add3A_66, %dma_start3A_79] : memref<128x64xf32, #tpu.memory_space<vmem>> -> memref<1x64xf32, #tpu.memory_space<vmem>>
      %dma_start3A_81 = arith.constant 0 : i32
      %dma_start3A_82 = tpu.memref_slice %arg5[%squeeze3A_78, %dma_start3A_81] : memref<100000x64xf32, #tpu.memory_space<hbm>> -> memref<1x64xf32, #tpu.memory_space<hbm>>
      %dma_start3A_83 = arith.constant 0 : i32
      %dma_start3A_84 = tpu.memref_slice %arg11[%add3A_66, %dma_start3A_83] : memref<128x64xf32, #tpu.memory_space<vmem>> -> memref<1x64xf32, #tpu.memory_space<vmem>>
      %dma_start3A_85 = arith.constant 0 : i32
      %dma_start3A_86 = tpu.memref_slice %arg5[%squeeze3A_78, %dma_start3A_85] : memref<100000x64xf32, #tpu.memory_space<hbm>> -> memref<1x64xf32, #tpu.memory_space<hbm>>
      tpu.enqueue_dma source(%dma_start3A_86 : memref<1x64xf32, #tpu.memory_space<hbm>>) target(%dma_start3A_84 : memref<1x64xf32, #tpu.memory_space<vmem>>) target_semaphore(%arg13 : memref<!tpu.dma_semaphore, #tpu.memory_space<semaphore_mem>>)
      %mul3A_87 = arith.constant 16 : i32
      %mul3A_88 = arith.muli %scan3A_8, %mul3A_87 : i32
      %add3A_89 = arith.constant 3 : i32
      %add3A_90 = arith.addi %mul3A_88, %add3A_89 : i32
      %slice3A_91 = vector.extract_strided_slice %get3A_12 {offsets = [3], sizes = [1], strides = [1]} : vector<16xi32> to vector<1xi32>
      %squeeze3A_92 = vector.extract %slice3A_91[0] : i32 from vector<1xi32>
      %dma_start3A_93 = arith.constant 0 : i32
      %dma_start3A_94 = tpu.memref_slice %arg10[%add3A_90, %dma_start3A_93] : memref<128x64xf32, #tpu.memory_space<vmem>> -> memref<1x64xf32, #tpu.memory_space<vmem>>
      %dma_start3A_95 = arith.constant 0 : i32
      %dma_start3A_96 = tpu.memref_slice %arg4[%squeeze3A_92, %dma_start3A_95] : memref<1000000x64xf32, #tpu.memory_space<hbm>> -> memref<1x64xf32, #tpu.memory_space<hbm>>
      %dma_start3A_97 = arith.constant 0 : i32
      %dma_start3A_98 = tpu.memref_slice %arg10[%add3A_90, %dma_start3A_97] : memref<128x64xf32, #tpu.memory_space<vmem>> -> memref<1x64xf32, #tpu.memory_space<vmem>>
      %dma_start3A_99 = arith.constant 0 : i32
      %dma_start3A_100 = tpu.memref_slice %arg4[%squeeze3A_92, %dma_start3A_99] : memref<1000000x64xf32, #tpu.memory_space<hbm>> -> memref<1x64xf32, #tpu.memory_space<hbm>>
      tpu.enqueue_dma source(%dma_start3A_100 : memref<1x64xf32, #tpu.memory_space<hbm>>) target(%dma_start3A_98 : memref<1x64xf32, #tpu.memory_space<vmem>>) target_semaphore(%arg12 : memref<!tpu.dma_semaphore, #tpu.memory_space<semaphore_mem>>)
      %slice3A_101 = vector.extract_strided_slice %get3A_17 {offsets = [3], sizes = [1], strides = [1]} : vector<16xi32> to vector<1xi32>
      %squeeze3A_102 = vector.extract %slice3A_101[0] : i32 from vector<1xi32>
      %dma_start3A_103 = arith.constant 0 : i32
      %dma_start3A_104 = tpu.memref_slice %arg11[%add3A_90, %dma_start3A_103] : memref<128x64xf32, #tpu.memory_space<vmem>> -> memref<1x64xf32, #tpu.memory_space<vmem>>
      %dma_start3A_105 = arith.constant 0 : i32
      %dma_start3A_106 = tpu.memref_slice %arg5[%squeeze3A_102, %dma_start3A_105] : memref<100000x64xf32, #tpu.memory_space<hbm>> -> memref<1x64xf32, #tpu.memory_space<hbm>>
      %dma_start3A_107 = arith.constant 0 : i32
      %dma_start3A_108 = tpu.memref_slice %arg11[%add3A_90, %dma_start3A_107] : memref<128x64xf32, #tpu.memory_space<vmem>> -> memref<1x64xf32, #tpu.memory_space<vmem>>
      %dma_start3A_109 = arith.constant 0 : i32
      %dma_start3A_110 = tpu.memref_slice %arg5[%squeeze3A_102, %dma_start3A_109] : memref<100000x64xf32, #tpu.memory_space<hbm>> -> memref<1x64xf32, #tpu.memory_space<hbm>>
      tpu.enqueue_dma source(%dma_start3A_110 : memref<1x64xf32, #tpu.memory_space<hbm>>) target(%dma_start3A_108 : memref<1x64xf32, #tpu.memory_space<vmem>>) target_semaphore(%arg13 : memref<!tpu.dma_semaphore, #tpu.memory_space<semaphore_mem>>)
      %mul3A_111 = arith.constant 16 : i32
      %mul3A_112 = arith.muli %scan3A_8, %mul3A_111 : i32
      %add3A_113 = arith.constant 4 : i32
      %add3A_114 = arith.addi %mul3A_112, %add3A_113 : i32
      %slice3A_115 = vector.extract_strided_slice %get3A_12 {offsets = [4], sizes = [1], strides = [1]} : vector<16xi32> to vector<1xi32>
      %squeeze3A_116 = vector.extract %slice3A_115[0] : i32 from vector<1xi32>
      %dma_start3A_117 = arith.constant 0 : i32
      %dma_start3A_118 = tpu.memref_slice %arg10[%add3A_114, %dma_start3A_117] : memref<128x64xf32, #tpu.memory_space<vmem>> -> memref<1x64xf32, #tpu.memory_space<vmem>>
      %dma_start3A_119 = arith.constant 0 : i32
      %dma_start3A_120 = tpu.memref_slice %arg4[%squeeze3A_116, %dma_start3A_119] : memref<1000000x64xf32, #tpu.memory_space<hbm>> -> memref<1x64xf32, #tpu.memory_space<hbm>>
      %dma_start3A_121 = arith.constant 0 : i32
      %dma_start3A_122 = tpu.memref_slice %arg10[%add3A_114, %dma_start3A_121] : memref<128x64xf32, #tpu.memory_space<vmem>> -> memref<1x64xf32, #tpu.memory_space<vmem>>
      %dma_start3A_123 = arith.constant 0 : i32
      %dma_start3A_124 = tpu.memref_slice %arg4[%squeeze3A_116, %dma_start3A_123] : memref<1000000x64xf32, #tpu.memory_space<hbm>> -> memref<1x64xf32, #tpu.memory_space<hbm>>
      tpu.enqueue_dma source(%dma_start3A_124 : memref<1x64xf32, #tpu.memory_space<hbm>>) target(%dma_start3A_122 : memref<1x64xf32, #tpu.memory_space<vmem>>) target_semaphore(%arg12 : memref<!tpu.dma_semaphore, #tpu.memory_space<semaphore_mem>>)
      %slice3A_125 = vector.extract_strided_slice %get3A_17 {offsets = [4], sizes = [1], strides = [1]} : vector<16xi32> to vector<1xi32>
      %squeeze3A_126 = vector.extract %slice3A_125[0] : i32 from vector<1xi32>
      %dma_start3A_127 = arith.constant 0 : i32
      %dma_start3A_128 = tpu.memref_slice %arg11[%add3A_114, %dma_start3A_127] : memref<128x64xf32, #tpu.memory_space<vmem>> -> memref<1x64xf32, #tpu.memory_space<vmem>>
      %dma_start3A_129 = arith.constant 0 : i32
      %dma_start3A_130 = tpu.memref_slice %arg5[%squeeze3A_126, %dma_start3A_129] : memref<100000x64xf32, #tpu.memory_space<hbm>> -> memref<1x64xf32, #tpu.memory_space<hbm>>
      %dma_start3A_131 = arith.constant 0 : i32
      %dma_start3A_132 = tpu.memref_slice %arg11[%add3A_114, %dma_start3A_131] : memref<128x64xf32, #tpu.memory_space<vmem>> -> memref<1x64xf32, #tpu.memory_space<vmem>>
      %dma_start3A_133 = arith.constant 0 : i32
      %dma_start3A_134 = tpu.memref_slice %arg5[%squeeze3A_126, %dma_start3A_133] : memref<100000x64xf32, #tpu.memory_space<hbm>> -> memref<1x64xf32, #tpu.memory_space<hbm>>
      tpu.enqueue_dma source(%dma_start3A_134 : memref<1x64xf32, #tpu.memory_space<hbm>>) target(%dma_start3A_132 : memref<1x64xf32, #tpu.memory_space<vmem>>) target_semaphore(%arg13 : memref<!tpu.dma_semaphore, #tpu.memory_space<semaphore_mem>>)
      %mul3A_135 = arith.constant 16 : i32
      %mul3A_136 = arith.muli %scan3A_8, %mul3A_135 : i32
      %add3A_137 = arith.constant 5 : i32
      %add3A_138 = arith.addi %mul3A_136, %add3A_137 : i32
      %slice3A_139 = vector.extract_strided_slice %get3A_12 {offsets = [5], sizes = [1], strides = [1]} : vector<16xi32> to vector<1xi32>
      %squeeze3A_140 = vector.extract %slice3A_139[0] : i32 from vector<1xi32>
      %dma_start3A_141 = arith.constant 0 : i32
      %dma_start3A_142 = tpu.memref_slice %arg10[%add3A_138, %dma_start3A_141] : memref<128x64xf32, #tpu.memory_space<vmem>> -> memref<1x64xf32, #tpu.memory_space<vmem>>
      %dma_start3A_143 = arith.constant 0 : i32
      %dma_start3A_144 = tpu.memref_slice %arg4[%squeeze3A_140, %dma_start3A_143] : memref<1000000x64xf32, #tpu.memory_space<hbm>> -> memref<1x64xf32, #tpu.memory_space<hbm>>
      %dma_start3A_145 = arith.constant 0 : i32
      %dma_start3A_146 = tpu.memref_slice %arg10[%add3A_138, %dma_start3A_145] : memref<128x64xf32, #tpu.memory_space<vmem>> -> memref<1x64xf32, #tpu.memory_space<vmem>>
      %dma_start3A_147 = arith.constant 0 : i32
      %dma_start3A_148 = tpu.memref_slice %arg4[%squeeze3A_140, %dma_start3A_147] : memref<1000000x64xf32, #tpu.memory_space<hbm>> -> memref<1x64xf32, #tpu.memory_space<hbm>>
      tpu.enqueue_dma source(%dma_start3A_148 : memref<1x64xf32, #tpu.memory_space<hbm>>) target(%dma_start3A_146 : memref<1x64xf32, #tpu.memory_space<vmem>>) target_semaphore(%arg12 : memref<!tpu.dma_semaphore, #tpu.memory_space<semaphore_mem>>)
      %slice3A_149 = vector.extract_strided_slice %get3A_17 {offsets = [5], sizes = [1], strides = [1]} : vector<16xi32> to vector<1xi32>
      %squeeze3A_150 = vector.extract %slice3A_149[0] : i32 from vector<1xi32>
      %dma_start3A_151 = arith.constant 0 : i32
      %dma_start3A_152 = tpu.memref_slice %arg11[%add3A_138, %dma_start3A_151] : memref<128x64xf32, #tpu.memory_space<vmem>> -> memref<1x64xf32, #tpu.memory_space<vmem>>
      %dma_start3A_153 = arith.constant 0 : i32
      %dma_start3A_154 = tpu.memref_slice %arg5[%squeeze3A_150, %dma_start3A_153] : memref<100000x64xf32, #tpu.memory_space<hbm>> -> memref<1x64xf32, #tpu.memory_space<hbm>>
      %dma_start3A_155 = arith.constant 0 : i32
      %dma_start3A_156 = tpu.memref_slice %arg11[%add3A_138, %dma_start3A_155] : memref<128x64xf32, #tpu.memory_space<vmem>> -> memref<1x64xf32, #tpu.memory_space<vmem>>
      %dma_start3A_157 = arith.constant 0 : i32
      %dma_start3A_158 = tpu.memref_slice %arg5[%squeeze3A_150, %dma_start3A_157] : memref<100000x64xf32, #tpu.memory_space<hbm>> -> memref<1x64xf32, #tpu.memory_space<hbm>>
      tpu.enqueue_dma source(%dma_start3A_158 : memref<1x64xf32, #tpu.memory_space<hbm>>) target(%dma_start3A_156 : memref<1x64xf32, #tpu.memory_space<vmem>>) target_semaphore(%arg13 : memref<!tpu.dma_semaphore, #tpu.memory_space<semaphore_mem>>)
      %mul3A_159 = arith.constant 16 : i32
      %mul3A_160 = arith.muli %scan3A_8, %mul3A_159 : i32
      %add3A_161 = arith.constant 6 : i32
      %add3A_162 = arith.addi %mul3A_160, %add3A_161 : i32
      %slice3A_163 = vector.extract_strided_slice %get3A_12 {offsets = [6], sizes = [1], strides = [1]} : vector<16xi32> to vector<1xi32>
      %squeeze3A_164 = vector.extract %slice3A_163[0] : i32 from vector<1xi32>
      %dma_start3A_165 = arith.constant 0 : i32
      %dma_start3A_166 = tpu.memref_slice %arg10[%add3A_162, %dma_start3A_165] : memref<128x64xf32, #tpu.memory_space<vmem>> -> memref<1x64xf32, #tpu.memory_space<vmem>>
      %dma_start3A_167 = arith.constant 0 : i32
      %dma_start3A_168 = tpu.memref_slice %arg4[%squeeze3A_164, %dma_start3A_167] : memref<1000000x64xf32, #tpu.memory_space<hbm>> -> memref<1x64xf32, #tpu.memory_space<hbm>>
      %dma_start3A_169 = arith.constant 0 : i32
      %dma_start3A_170 = tpu.memref_slice %arg10[%add3A_162, %dma_start3A_169] : memref<128x64xf32, #tpu.memory_space<vmem>> -> memref<1x64xf32, #tpu.memory_space<vmem>>
      %dma_start3A_171 = arith.constant 0 : i32
      %dma_start3A_172 = tpu.memref_slice %arg4[%squeeze3A_164, %dma_start3A_171] : memref<1000000x64xf32, #tpu.memory_space<hbm>> -> memref<1x64xf32, #tpu.memory_space<hbm>>
      tpu.enqueue_dma source(%dma_start3A_172 : memref<1x64xf32, #tpu.memory_space<hbm>>) target(%dma_start3A_170 : memref<1x64xf32, #tpu.memory_space<vmem>>) target_semaphore(%arg12 : memref<!tpu.dma_semaphore, #tpu.memory_space<semaphore_mem>>)
      %slice3A_173 = vector.extract_strided_slice %get3A_17 {offsets = [6], sizes = [1], strides = [1]} : vector<16xi32> to vector<1xi32>
      %squeeze3A_174 = vector.extract %slice3A_173[0] : i32 from vector<1xi32>
      %dma_start3A_175 = arith.constant 0 : i32
      %dma_start3A_176 = tpu.memref_slice %arg11[%add3A_162, %dma_start3A_175] : memref<128x64xf32, #tpu.memory_space<vmem>> -> memref<1x64xf32, #tpu.memory_space<vmem>>
      %dma_start3A_177 = arith.constant 0 : i32
      %dma_start3A_178 = tpu.memref_slice %arg5[%squeeze3A_174, %dma_start3A_177] : memref<100000x64xf32, #tpu.memory_space<hbm>> -> memref<1x64xf32, #tpu.memory_space<hbm>>
      %dma_start3A_179 = arith.constant 0 : i32
      %dma_start3A_180 = tpu.memref_slice %arg11[%add3A_162, %dma_start3A_179] : memref<128x64xf32, #tpu.memory_space<vmem>> -> memref<1x64xf32, #tpu.memory_space<vmem>>
      %dma_start3A_181 = arith.constant 0 : i32
      %dma_start3A_182 = tpu.memref_slice %arg5[%squeeze3A_174, %dma_start3A_181] : memref<100000x64xf32, #tpu.memory_space<hbm>> -> memref<1x64xf32, #tpu.memory_space<hbm>>
      tpu.enqueue_dma source(%dma_start3A_182 : memref<1x64xf32, #tpu.memory_space<hbm>>) target(%dma_start3A_180 : memref<1x64xf32, #tpu.memory_space<vmem>>) target_semaphore(%arg13 : memref<!tpu.dma_semaphore, #tpu.memory_space<semaphore_mem>>)
      %mul3A_183 = arith.constant 16 : i32
      %mul3A_184 = arith.muli %scan3A_8, %mul3A_183 : i32
      %add3A_185 = arith.constant 7 : i32
      %add3A_186 = arith.addi %mul3A_184, %add3A_185 : i32
      %slice3A_187 = vector.extract_strided_slice %get3A_12 {offsets = [7], sizes = [1], strides = [1]} : vector<16xi32> to vector<1xi32>
      %squeeze3A_188 = vector.extract %slice3A_187[0] : i32 from vector<1xi32>
      %dma_start3A_189 = arith.constant 0 : i32
      %dma_start3A_190 = tpu.memref_slice %arg10[%add3A_186, %dma_start3A_189] : memref<128x64xf32, #tpu.memory_space<vmem>> -> memref<1x64xf32, #tpu.memory_space<vmem>>
      %dma_start3A_191 = arith.constant 0 : i32
      %dma_start3A_192 = tpu.memref_slice %arg4[%squeeze3A_188, %dma_start3A_191] : memref<1000000x64xf32, #tpu.memory_space<hbm>> -> memref<1x64xf32, #tpu.memory_space<hbm>>
      %dma_start3A_193 = arith.constant 0 : i32
      %dma_start3A_194 = tpu.memref_slice %arg10[%add3A_186, %dma_start3A_193] : memref<128x64xf32, #tpu.memory_space<vmem>> -> memref<1x64xf32, #tpu.memory_space<vmem>>
      %dma_start3A_195 = arith.constant 0 : i32
      %dma_start3A_196 = tpu.memref_slice %arg4[%squeeze3A_188, %dma_start3A_195] : memref<1000000x64xf32, #tpu.memory_space<hbm>> -> memref<1x64xf32, #tpu.memory_space<hbm>>
      tpu.enqueue_dma source(%dma_start3A_196 : memref<1x64xf32, #tpu.memory_space<hbm>>) target(%dma_start3A_194 : memref<1x64xf32, #tpu.memory_space<vmem>>) target_semaphore(%arg12 : memref<!tpu.dma_semaphore, #tpu.memory_space<semaphore_mem>>)
      %slice3A_197 = vector.extract_strided_slice %get3A_17 {offsets = [7], sizes = [1], strides = [1]} : vector<16xi32> to vector<1xi32>
      %squeeze3A_198 = vector.extract %slice3A_197[0] : i32 from vector<1xi32>
      %dma_start3A_199 = arith.constant 0 : i32
      %dma_start3A_200 = tpu.memref_slice %arg11[%add3A_186, %dma_start3A_199] : memref<128x64xf32, #tpu.memory_space<vmem>> -> memref<1x64xf32, #tpu.memory_space<vmem>>
      %dma_start3A_201 = arith.constant 0 : i32
      %dma_start3A_202 = tpu.memref_slice %arg5[%squeeze3A_198, %dma_start3A_201] : memref<100000x64xf32, #tpu.memory_space<hbm>> -> memref<1x64xf32, #tpu.memory_space<hbm>>
      %dma_start3A_203 = arith.constant 0 : i32
      %dma_start3A_204 = tpu.memref_slice %arg11[%add3A_186, %dma_start3A_203] : memref<128x64xf32, #tpu.memory_space<vmem>> -> memref<1x64xf32, #tpu.memory_space<vmem>>
      %dma_start3A_205 = arith.constant 0 : i32
      %dma_start3A_206 = tpu.memref_slice %arg5[%squeeze3A_198, %dma_start3A_205] : memref<100000x64xf32, #tpu.memory_space<hbm>> -> memref<1x64xf32, #tpu.memory_space<hbm>>
      tpu.enqueue_dma source(%dma_start3A_206 : memref<1x64xf32, #tpu.memory_space<hbm>>) target(%dma_start3A_204 : memref<1x64xf32, #tpu.memory_space<vmem>>) target_semaphore(%arg13 : memref<!tpu.dma_semaphore, #tpu.memory_space<semaphore_mem>>)
      %mul3A_207 = arith.constant 16 : i32
      %mul3A_208 = arith.muli %scan3A_8, %mul3A_207 : i32
      %add3A_209 = arith.constant 8 : i32
      %add3A_210 = arith.addi %mul3A_208, %add3A_209 : i32
      %slice3A_211 = vector.extract_strided_slice %get3A_12 {offsets = [8], sizes = [1], strides = [1]} : vector<16xi32> to vector<1xi32>
      %squeeze3A_212 = vector.extract %slice3A_211[0] : i32 from vector<1xi32>
      %dma_start3A_213 = arith.constant 0 : i32
      %dma_start3A_214 = tpu.memref_slice %arg10[%add3A_210, %dma_start3A_213] : memref<128x64xf32, #tpu.memory_space<vmem>> -> memref<1x64xf32, #tpu.memory_space<vmem>>
      %dma_start3A_215 = arith.constant 0 : i32
      %dma_start3A_216 = tpu.memref_slice %arg4[%squeeze3A_212, %dma_start3A_215] : memref<1000000x64xf32, #tpu.memory_space<hbm>> -> memref<1x64xf32, #tpu.memory_space<hbm>>
      %dma_start3A_217 = arith.constant 0 : i32
      %dma_start3A_218 = tpu.memref_slice %arg10[%add3A_210, %dma_start3A_217] : memref<128x64xf32, #tpu.memory_space<vmem>> -> memref<1x64xf32, #tpu.memory_space<vmem>>
      %dma_start3A_219 = arith.constant 0 : i32
      %dma_start3A_220 = tpu.memref_slice %arg4[%squeeze3A_212, %dma_start3A_219] : memref<1000000x64xf32, #tpu.memory_space<hbm>> -> memref<1x64xf32, #tpu.memory_space<hbm>>
      tpu.enqueue_dma source(%dma_start3A_220 : memref<1x64xf32, #tpu.memory_space<hbm>>) target(%dma_start3A_218 : memref<1x64xf32, #tpu.memory_space<vmem>>) target_semaphore(%arg12 : memref<!tpu.dma_semaphore, #tpu.memory_space<semaphore_mem>>)
      %slice3A_221 = vector.extract_strided_slice %get3A_17 {offsets = [8], sizes = [1], strides = [1]} : vector<16xi32> to vector<1xi32>
      %squeeze3A_222 = vector.extract %slice3A_221[0] : i32 from vector<1xi32>
      %dma_start3A_223 = arith.constant 0 : i32
      %dma_start3A_224 = tpu.memref_slice %arg11[%add3A_210, %dma_start3A_223] : memref<128x64xf32, #tpu.memory_space<vmem>> -> memref<1x64xf32, #tpu.memory_space<vmem>>
      %dma_start3A_225 = arith.constant 0 : i32
      %dma_start3A_226 = tpu.memref_slice %arg5[%squeeze3A_222, %dma_start3A_225] : memref<100000x64xf32, #tpu.memory_space<hbm>> -> memref<1x64xf32, #tpu.memory_space<hbm>>
      %dma_start3A_227 = arith.constant 0 : i32
      %dma_start3A_228 = tpu.memref_slice %arg11[%add3A_210, %dma_start3A_227] : memref<128x64xf32, #tpu.memory_space<vmem>> -> memref<1x64xf32, #tpu.memory_space<vmem>>
      %dma_start3A_229 = arith.constant 0 : i32
      %dma_start3A_230 = tpu.memref_slice %arg5[%squeeze3A_222, %dma_start3A_229] : memref<100000x64xf32, #tpu.memory_space<hbm>> -> memref<1x64xf32, #tpu.memory_space<hbm>>
      tpu.enqueue_dma source(%dma_start3A_230 : memref<1x64xf32, #tpu.memory_space<hbm>>) target(%dma_start3A_228 : memref<1x64xf32, #tpu.memory_space<vmem>>) target_semaphore(%arg13 : memref<!tpu.dma_semaphore, #tpu.memory_space<semaphore_mem>>)
      %mul3A_231 = arith.constant 16 : i32
      %mul3A_232 = arith.muli %scan3A_8, %mul3A_231 : i32
      %add3A_233 = arith.constant 9 : i32
      %add3A_234 = arith.addi %mul3A_232, %add3A_233 : i32
      %slice3A_235 = vector.extract_strided_slice %get3A_12 {offsets = [9], sizes = [1], strides = [1]} : vector<16xi32> to vector<1xi32>
      %squeeze3A_236 = vector.extract %slice3A_235[0] : i32 from vector<1xi32>
      %dma_start3A_237 = arith.constant 0 : i32
      %dma_start3A_238 = tpu.memref_slice %arg10[%add3A_234, %dma_start3A_237] : memref<128x64xf32, #tpu.memory_space<vmem>> -> memref<1x64xf32, #tpu.memory_space<vmem>>
      %dma_start3A_239 = arith.constant 0 : i32
      %dma_start3A_240 = tpu.memref_slice %arg4[%squeeze3A_236, %dma_start3A_239] : memref<1000000x64xf32, #tpu.memory_space<hbm>> -> memref<1x64xf32, #tpu.memory_space<hbm>>
      %dma_start3A_241 = arith.constant 0 : i32
      %dma_start3A_242 = tpu.memref_slice %arg10[%add3A_234, %dma_start3A_241] : memref<128x64xf32, #tpu.memory_space<vmem>> -> memref<1x64xf32, #tpu.memory_space<vmem>>
      %dma_start3A_243 = arith.constant 0 : i32
      %dma_start3A_244 = tpu.memref_slice %arg4[%squeeze3A_236, %dma_start3A_243] : memref<1000000x64xf32, #tpu.memory_space<hbm>> -> memref<1x64xf32, #tpu.memory_space<hbm>>
      tpu.enqueue_dma source(%dma_start3A_244 : memref<1x64xf32, #tpu.memory_space<hbm>>) target(%dma_start3A_242 : memref<1x64xf32, #tpu.memory_space<vmem>>) target_semaphore(%arg12 : memref<!tpu.dma_semaphore, #tpu.memory_space<semaphore_mem>>)
      %slice3A_245 = vector.extract_strided_slice %get3A_17 {offsets = [9], sizes = [1], strides = [1]} : vector<16xi32> to vector<1xi32>
      %squeeze3A_246 = vector.extract %slice3A_245[0] : i32 from vector<1xi32>
      %dma_start3A_247 = arith.constant 0 : i32
      %dma_start3A_248 = tpu.memref_slice %arg11[%add3A_234, %dma_start3A_247] : memref<128x64xf32, #tpu.memory_space<vmem>> -> memref<1x64xf32, #tpu.memory_space<vmem>>
      %dma_start3A_249 = arith.constant 0 : i32
      %dma_start3A_250 = tpu.memref_slice %arg5[%squeeze3A_246, %dma_start3A_249] : memref<100000x64xf32, #tpu.memory_space<hbm>> -> memref<1x64xf32, #tpu.memory_space<hbm>>
      %dma_start3A_251 = arith.constant 0 : i32
      %dma_start3A_252 = tpu.memref_slice %arg11[%add3A_234, %dma_start3A_251] : memref<128x64xf32, #tpu.memory_space<vmem>> -> memref<1x64xf32, #tpu.memory_space<vmem>>
      %dma_start3A_253 = arith.constant 0 : i32
      %dma_start3A_254 = tpu.memref_slice %arg5[%squeeze3A_246, %dma_start3A_253] : memref<100000x64xf32, #tpu.memory_space<hbm>> -> memref<1x64xf32, #tpu.memory_space<hbm>>
      tpu.enqueue_dma source(%dma_start3A_254 : memref<1x64xf32, #tpu.memory_space<hbm>>) target(%dma_start3A_252 : memref<1x64xf32, #tpu.memory_space<vmem>>) target_semaphore(%arg13 : memref<!tpu.dma_semaphore, #tpu.memory_space<semaphore_mem>>)
      %mul3A_255 = arith.constant 16 : i32
      %mul3A_256 = arith.muli %scan3A_8, %mul3A_255 : i32
      %add3A_257 = arith.constant 10 : i32
      %add3A_258 = arith.addi %mul3A_256, %add3A_257 : i32
      %slice3A_259 = vector.extract_strided_slice %get3A_12 {offsets = [10], sizes = [1], strides = [1]} : vector<16xi32> to vector<1xi32>
      %squeeze3A_260 = vector.extract %slice3A_259[0] : i32 from vector<1xi32>
      %dma_start3A_261 = arith.constant 0 : i32
      %dma_start3A_262 = tpu.memref_slice %arg10[%add3A_258, %dma_start3A_261] : memref<128x64xf32, #tpu.memory_space<vmem>> -> memref<1x64xf32, #tpu.memory_space<vmem>>
      %dma_start3A_263 = arith.constant 0 : i32
      %dma_start3A_264 = tpu.memref_slice %arg4[%squeeze3A_260, %dma_start3A_263] : memref<1000000x64xf32, #tpu.memory_space<hbm>> -> memref<1x64xf32, #tpu.memory_space<hbm>>
      %dma_start3A_265 = arith.constant 0 : i32
      %dma_start3A_266 = tpu.memref_slice %arg10[%add3A_258, %dma_start3A_265] : memref<128x64xf32, #tpu.memory_space<vmem>> -> memref<1x64xf32, #tpu.memory_space<vmem>>
      %dma_start3A_267 = arith.constant 0 : i32
      %dma_start3A_268 = tpu.memref_slice %arg4[%squeeze3A_260, %dma_start3A_267] : memref<1000000x64xf32, #tpu.memory_space<hbm>> -> memref<1x64xf32, #tpu.memory_space<hbm>>
      tpu.enqueue_dma source(%dma_start3A_268 : memref<1x64xf32, #tpu.memory_space<hbm>>) target(%dma_start3A_266 : memref<1x64xf32, #tpu.memory_space<vmem>>) target_semaphore(%arg12 : memref<!tpu.dma_semaphore, #tpu.memory_space<semaphore_mem>>)
      %slice3A_269 = vector.extract_strided_slice %get3A_17 {offsets = [10], sizes = [1], strides = [1]} : vector<16xi32> to vector<1xi32>
      %squeeze3A_270 = vector.extract %slice3A_269[0] : i32 from vector<1xi32>
      %dma_start3A_271 = arith.constant 0 : i32
      %dma_start3A_272 = tpu.memref_slice %arg11[%add3A_258, %dma_start3A_271] : memref<128x64xf32, #tpu.memory_space<vmem>> -> memref<1x64xf32, #tpu.memory_space<vmem>>
      %dma_start3A_273 = arith.constant 0 : i32
      %dma_start3A_274 = tpu.memref_slice %arg5[%squeeze3A_270, %dma_start3A_273] : memref<100000x64xf32, #tpu.memory_space<hbm>> -> memref<1x64xf32, #tpu.memory_space<hbm>>
      %dma_start3A_275 = arith.constant 0 : i32
      %dma_start3A_276 = tpu.memref_slice %arg11[%add3A_258, %dma_start3A_275] : memref<128x64xf32, #tpu.memory_space<vmem>> -> memref<1x64xf32, #tpu.memory_space<vmem>>
      %dma_start3A_277 = arith.constant 0 : i32
      %dma_start3A_278 = tpu.memref_slice %arg5[%squeeze3A_270, %dma_start3A_277] : memref<100000x64xf32, #tpu.memory_space<hbm>> -> memref<1x64xf32, #tpu.memory_space<hbm>>
      tpu.enqueue_dma source(%dma_start3A_278 : memref<1x64xf32, #tpu.memory_space<hbm>>) target(%dma_start3A_276 : memref<1x64xf32, #tpu.memory_space<vmem>>) target_semaphore(%arg13 : memref<!tpu.dma_semaphore, #tpu.memory_space<semaphore_mem>>)
      %mul3A_279 = arith.constant 16 : i32
      %mul3A_280 = arith.muli %scan3A_8, %mul3A_279 : i32
      %add3A_281 = arith.constant 11 : i32
      %add3A_282 = arith.addi %mul3A_280, %add3A_281 : i32
      %slice3A_283 = vector.extract_strided_slice %get3A_12 {offsets = [11], sizes = [1], strides = [1]} : vector<16xi32> to vector<1xi32>
      %squeeze3A_284 = vector.extract %slice3A_283[0] : i32 from vector<1xi32>
      %dma_start3A_285 = arith.constant 0 : i32
      %dma_start3A_286 = tpu.memref_slice %arg10[%add3A_282, %dma_start3A_285] : memref<128x64xf32, #tpu.memory_space<vmem>> -> memref<1x64xf32, #tpu.memory_space<vmem>>
      %dma_start3A_287 = arith.constant 0 : i32
      %dma_start3A_288 = tpu.memref_slice %arg4[%squeeze3A_284, %dma_start3A_287] : memref<1000000x64xf32, #tpu.memory_space<hbm>> -> memref<1x64xf32, #tpu.memory_space<hbm>>
      %dma_start3A_289 = arith.constant 0 : i32
      %dma_start3A_290 = tpu.memref_slice %arg10[%add3A_282, %dma_start3A_289] : memref<128x64xf32, #tpu.memory_space<vmem>> -> memref<1x64xf32, #tpu.memory_space<vmem>>
      %dma_start3A_291 = arith.constant 0 : i32
      %dma_start3A_292 = tpu.memref_slice %arg4[%squeeze3A_284, %dma_start3A_291] : memref<1000000x64xf32, #tpu.memory_space<hbm>> -> memref<1x64xf32, #tpu.memory_space<hbm>>
      tpu.enqueue_dma source(%dma_start3A_292 : memref<1x64xf32, #tpu.memory_space<hbm>>) target(%dma_start3A_290 : memref<1x64xf32, #tpu.memory_space<vmem>>) target_semaphore(%arg12 : memref<!tpu.dma_semaphore, #tpu.memory_space<semaphore_mem>>)
      %slice3A_293 = vector.extract_strided_slice %get3A_17 {offsets = [11], sizes = [1], strides = [1]} : vector<16xi32> to vector<1xi32>
      %squeeze3A_294 = vector.extract %slice3A_293[0] : i32 from vector<1xi32>
      %dma_start3A_295 = arith.constant 0 : i32
      %dma_start3A_296 = tpu.memref_slice %arg11[%add3A_282, %dma_start3A_295] : memref<128x64xf32, #tpu.memory_space<vmem>> -> memref<1x64xf32, #tpu.memory_space<vmem>>
      %dma_start3A_297 = arith.constant 0 : i32
      %dma_start3A_298 = tpu.memref_slice %arg5[%squeeze3A_294, %dma_start3A_297] : memref<100000x64xf32, #tpu.memory_space<hbm>> -> memref<1x64xf32, #tpu.memory_space<hbm>>
      %dma_start3A_299 = arith.constant 0 : i32
      %dma_start3A_300 = tpu.memref_slice %arg11[%add3A_282, %dma_start3A_299] : memref<128x64xf32, #tpu.memory_space<vmem>> -> memref<1x64xf32, #tpu.memory_space<vmem>>
      %dma_start3A_301 = arith.constant 0 : i32
      %dma_start3A_302 = tpu.memref_slice %arg5[%squeeze3A_294, %dma_start3A_301] : memref<100000x64xf32, #tpu.memory_space<hbm>> -> memref<1x64xf32, #tpu.memory_space<hbm>>
      tpu.enqueue_dma source(%dma_start3A_302 : memref<1x64xf32, #tpu.memory_space<hbm>>) target(%dma_start3A_300 : memref<1x64xf32, #tpu.memory_space<vmem>>) target_semaphore(%arg13 : memref<!tpu.dma_semaphore, #tpu.memory_space<semaphore_mem>>)
      %mul3A_303 = arith.constant 16 : i32
      %mul3A_304 = arith.muli %scan3A_8, %mul3A_303 : i32
      %add3A_305 = arith.constant 12 : i32
      %add3A_306 = arith.addi %mul3A_304, %add3A_305 : i32
      %slice3A_307 = vector.extract_strided_slice %get3A_12 {offsets = [12], sizes = [1], strides = [1]} : vector<16xi32> to vector<1xi32>
      %squeeze3A_308 = vector.extract %slice3A_307[0] : i32 from vector<1xi32>
      %dma_start3A_309 = arith.constant 0 : i32
      %dma_start3A_310 = tpu.memref_slice %arg10[%add3A_306, %dma_start3A_309] : memref<128x64xf32, #tpu.memory_space<vmem>> -> memref<1x64xf32, #tpu.memory_space<vmem>>
      %dma_start3A_311 = arith.constant 0 : i32
      %dma_start3A_312 = tpu.memref_slice %arg4[%squeeze3A_308, %dma_start3A_311] : memref<1000000x64xf32, #tpu.memory_space<hbm>> -> memref<1x64xf32, #tpu.memory_space<hbm>>
      %dma_start3A_313 = arith.constant 0 : i32
      %dma_start3A_314 = tpu.memref_slice %arg10[%add3A_306, %dma_start3A_313] : memref<128x64xf32, #tpu.memory_space<vmem>> -> memref<1x64xf32, #tpu.memory_space<vmem>>
      %dma_start3A_315 = arith.constant 0 : i32
      %dma_start3A_316 = tpu.memref_slice %arg4[%squeeze3A_308, %dma_start3A_315] : memref<1000000x64xf32, #tpu.memory_space<hbm>> -> memref<1x64xf32, #tpu.memory_space<hbm>>
      tpu.enqueue_dma source(%dma_start3A_316 : memref<1x64xf32, #tpu.memory_space<hbm>>) target(%dma_start3A_314 : memref<1x64xf32, #tpu.memory_space<vmem>>) target_semaphore(%arg12 : memref<!tpu.dma_semaphore, #tpu.memory_space<semaphore_mem>>)
      %slice3A_317 = vector.extract_strided_slice %get3A_17 {offsets = [12], sizes = [1], strides = [1]} : vector<16xi32> to vector<1xi32>
      %squeeze3A_318 = vector.extract %slice3A_317[0] : i32 from vector<1xi32>
      %dma_start3A_319 = arith.constant 0 : i32
      %dma_start3A_320 = tpu.memref_slice %arg11[%add3A_306, %dma_start3A_319] : memref<128x64xf32, #tpu.memory_space<vmem>> -> memref<1x64xf32, #tpu.memory_space<vmem>>
      %dma_start3A_321 = arith.constant 0 : i32
      %dma_start3A_322 = tpu.memref_slice %arg5[%squeeze3A_318, %dma_start3A_321] : memref<100000x64xf32, #tpu.memory_space<hbm>> -> memref<1x64xf32, #tpu.memory_space<hbm>>
      %dma_start3A_323 = arith.constant 0 : i32
      %dma_start3A_324 = tpu.memref_slice %arg11[%add3A_306, %dma_start3A_323] : memref<128x64xf32, #tpu.memory_space<vmem>> -> memref<1x64xf32, #tpu.memory_space<vmem>>
      %dma_start3A_325 = arith.constant 0 : i32
      %dma_start3A_326 = tpu.memref_slice %arg5[%squeeze3A_318, %dma_start3A_325] : memref<100000x64xf32, #tpu.memory_space<hbm>> -> memref<1x64xf32, #tpu.memory_space<hbm>>
      tpu.enqueue_dma source(%dma_start3A_326 : memref<1x64xf32, #tpu.memory_space<hbm>>) target(%dma_start3A_324 : memref<1x64xf32, #tpu.memory_space<vmem>>) target_semaphore(%arg13 : memref<!tpu.dma_semaphore, #tpu.memory_space<semaphore_mem>>)
      %mul3A_327 = arith.constant 16 : i32
      %mul3A_328 = arith.muli %scan3A_8, %mul3A_327 : i32
      %add3A_329 = arith.constant 13 : i32
      %add3A_330 = arith.addi %mul3A_328, %add3A_329 : i32
      %slice3A_331 = vector.extract_strided_slice %get3A_12 {offsets = [13], sizes = [1], strides = [1]} : vector<16xi32> to vector<1xi32>
      %squeeze3A_332 = vector.extract %slice3A_331[0] : i32 from vector<1xi32>
      %dma_start3A_333 = arith.constant 0 : i32
      %dma_start3A_334 = tpu.memref_slice %arg10[%add3A_330, %dma_start3A_333] : memref<128x64xf32, #tpu.memory_space<vmem>> -> memref<1x64xf32, #tpu.memory_space<vmem>>
      %dma_start3A_335 = arith.constant 0 : i32
      %dma_start3A_336 = tpu.memref_slice %arg4[%squeeze3A_332, %dma_start3A_335] : memref<1000000x64xf32, #tpu.memory_space<hbm>> -> memref<1x64xf32, #tpu.memory_space<hbm>>
      %dma_start3A_337 = arith.constant 0 : i32
      %dma_start3A_338 = tpu.memref_slice %arg10[%add3A_330, %dma_start3A_337] : memref<128x64xf32, #tpu.memory_space<vmem>> -> memref<1x64xf32, #tpu.memory_space<vmem>>
      %dma_start3A_339 = arith.constant 0 : i32
      %dma_start3A_340 = tpu.memref_slice %arg4[%squeeze3A_332, %dma_start3A_339] : memref<1000000x64xf32, #tpu.memory_space<hbm>> -> memref<1x64xf32, #tpu.memory_space<hbm>>
      tpu.enqueue_dma source(%dma_start3A_340 : memref<1x64xf32, #tpu.memory_space<hbm>>) target(%dma_start3A_338 : memref<1x64xf32, #tpu.memory_space<vmem>>) target_semaphore(%arg12 : memref<!tpu.dma_semaphore, #tpu.memory_space<semaphore_mem>>)
      %slice3A_341 = vector.extract_strided_slice %get3A_17 {offsets = [13], sizes = [1], strides = [1]} : vector<16xi32> to vector<1xi32>
      %squeeze3A_342 = vector.extract %slice3A_341[0] : i32 from vector<1xi32>
      %dma_start3A_343 = arith.constant 0 : i32
      %dma_start3A_344 = tpu.memref_slice %arg11[%add3A_330, %dma_start3A_343] : memref<128x64xf32, #tpu.memory_space<vmem>> -> memref<1x64xf32, #tpu.memory_space<vmem>>
      %dma_start3A_345 = arith.constant 0 : i32
      %dma_start3A_346 = tpu.memref_slice %arg5[%squeeze3A_342, %dma_start3A_345] : memref<100000x64xf32, #tpu.memory_space<hbm>> -> memref<1x64xf32, #tpu.memory_space<hbm>>
      %dma_start3A_347 = arith.constant 0 : i32
      %dma_start3A_348 = tpu.memref_slice %arg11[%add3A_330, %dma_start3A_347] : memref<128x64xf32, #tpu.memory_space<vmem>> -> memref<1x64xf32, #tpu.memory_space<vmem>>
      %dma_start3A_349 = arith.constant 0 : i32
      %dma_start3A_350 = tpu.memref_slice %arg5[%squeeze3A_342, %dma_start3A_349] : memref<100000x64xf32, #tpu.memory_space<hbm>> -> memref<1x64xf32, #tpu.memory_space<hbm>>
      tpu.enqueue_dma source(%dma_start3A_350 : memref<1x64xf32, #tpu.memory_space<hbm>>) target(%dma_start3A_348 : memref<1x64xf32, #tpu.memory_space<vmem>>) target_semaphore(%arg13 : memref<!tpu.dma_semaphore, #tpu.memory_space<semaphore_mem>>)
      %mul3A_351 = arith.constant 16 : i32
      %mul3A_352 = arith.muli %scan3A_8, %mul3A_351 : i32
      %add3A_353 = arith.constant 14 : i32
      %add3A_354 = arith.addi %mul3A_352, %add3A_353 : i32
      %slice3A_355 = vector.extract_strided_slice %get3A_12 {offsets = [14], sizes = [1], strides = [1]} : vector<16xi32> to vector<1xi32>
      %squeeze3A_356 = vector.extract %slice3A_355[0] : i32 from vector<1xi32>
      %dma_start3A_357 = arith.constant 0 : i32
      %dma_start3A_358 = tpu.memref_slice %arg10[%add3A_354, %dma_start3A_357] : memref<128x64xf32, #tpu.memory_space<vmem>> -> memref<1x64xf32, #tpu.memory_space<vmem>>
      %dma_start3A_359 = arith.constant 0 : i32
      %dma_start3A_360 = tpu.memref_slice %arg4[%squeeze3A_356, %dma_start3A_359] : memref<1000000x64xf32, #tpu.memory_space<hbm>> -> memref<1x64xf32, #tpu.memory_space<hbm>>
      %dma_start3A_361 = arith.constant 0 : i32
      %dma_start3A_362 = tpu.memref_slice %arg10[%add3A_354, %dma_start3A_361] : memref<128x64xf32, #tpu.memory_space<vmem>> -> memref<1x64xf32, #tpu.memory_space<vmem>>
      %dma_start3A_363 = arith.constant 0 : i32
      %dma_start3A_364 = tpu.memref_slice %arg4[%squeeze3A_356, %dma_start3A_363] : memref<1000000x64xf32, #tpu.memory_space<hbm>> -> memref<1x64xf32, #tpu.memory_space<hbm>>
      tpu.enqueue_dma source(%dma_start3A_364 : memref<1x64xf32, #tpu.memory_space<hbm>>) target(%dma_start3A_362 : memref<1x64xf32, #tpu.memory_space<vmem>>) target_semaphore(%arg12 : memref<!tpu.dma_semaphore, #tpu.memory_space<semaphore_mem>>)
      %slice3A_365 = vector.extract_strided_slice %get3A_17 {offsets = [14], sizes = [1], strides = [1]} : vector<16xi32> to vector<1xi32>
      %squeeze3A_366 = vector.extract %slice3A_365[0] : i32 from vector<1xi32>
      %dma_start3A_367 = arith.constant 0 : i32
      %dma_start3A_368 = tpu.memref_slice %arg11[%add3A_354, %dma_start3A_367] : memref<128x64xf32, #tpu.memory_space<vmem>> -> memref<1x64xf32, #tpu.memory_space<vmem>>
      %dma_start3A_369 = arith.constant 0 : i32
      %dma_start3A_370 = tpu.memref_slice %arg5[%squeeze3A_366, %dma_start3A_369] : memref<100000x64xf32, #tpu.memory_space<hbm>> -> memref<1x64xf32, #tpu.memory_space<hbm>>
      %dma_start3A_371 = arith.constant 0 : i32
      %dma_start3A_372 = tpu.memref_slice %arg11[%add3A_354, %dma_start3A_371] : memref<128x64xf32, #tpu.memory_space<vmem>> -> memref<1x64xf32, #tpu.memory_space<vmem>>
      %dma_start3A_373 = arith.constant 0 : i32
      %dma_start3A_374 = tpu.memref_slice %arg5[%squeeze3A_366, %dma_start3A_373] : memref<100000x64xf32, #tpu.memory_space<hbm>> -> memref<1x64xf32, #tpu.memory_space<hbm>>
      tpu.enqueue_dma source(%dma_start3A_374 : memref<1x64xf32, #tpu.memory_space<hbm>>) target(%dma_start3A_372 : memref<1x64xf32, #tpu.memory_space<vmem>>) target_semaphore(%arg13 : memref<!tpu.dma_semaphore, #tpu.memory_space<semaphore_mem>>)
      %mul3A_375 = arith.constant 16 : i32
      %mul3A_376 = arith.muli %scan3A_8, %mul3A_375 : i32
      %add3A_377 = arith.constant 15 : i32
      %add3A_378 = arith.addi %mul3A_376, %add3A_377 : i32
      %slice3A_379 = vector.extract_strided_slice %get3A_12 {offsets = [15], sizes = [1], strides = [1]} : vector<16xi32> to vector<1xi32>
      %squeeze3A_380 = vector.extract %slice3A_379[0] : i32 from vector<1xi32>
      %dma_start3A_381 = arith.constant 0 : i32
      %dma_start3A_382 = tpu.memref_slice %arg10[%add3A_378, %dma_start3A_381] : memref<128x64xf32, #tpu.memory_space<vmem>> -> memref<1x64xf32, #tpu.memory_space<vmem>>
      %dma_start3A_383 = arith.constant 0 : i32
      %dma_start3A_384 = tpu.memref_slice %arg4[%squeeze3A_380, %dma_start3A_383] : memref<1000000x64xf32, #tpu.memory_space<hbm>> -> memref<1x64xf32, #tpu.memory_space<hbm>>
      %dma_start3A_385 = arith.constant 0 : i32
      %dma_start3A_386 = tpu.memref_slice %arg10[%add3A_378, %dma_start3A_385] : memref<128x64xf32, #tpu.memory_space<vmem>> -> memref<1x64xf32, #tpu.memory_space<vmem>>
      %dma_start3A_387 = arith.constant 0 : i32
      %dma_start3A_388 = tpu.memref_slice %arg4[%squeeze3A_380, %dma_start3A_387] : memref<1000000x64xf32, #tpu.memory_space<hbm>> -> memref<1x64xf32, #tpu.memory_space<hbm>>
      tpu.enqueue_dma source(%dma_start3A_388 : memref<1x64xf32, #tpu.memory_space<hbm>>) target(%dma_start3A_386 : memref<1x64xf32, #tpu.memory_space<vmem>>) target_semaphore(%arg12 : memref<!tpu.dma_semaphore, #tpu.memory_space<semaphore_mem>>)
      %slice3A_389 = vector.extract_strided_slice %get3A_17 {offsets = [15], sizes = [1], strides = [1]} : vector<16xi32> to vector<1xi32>
      %squeeze3A_390 = vector.extract %slice3A_389[0] : i32 from vector<1xi32>
      %dma_start3A_391 = arith.constant 0 : i32
      %dma_start3A_392 = tpu.memref_slice %arg11[%add3A_378, %dma_start3A_391] : memref<128x64xf32, #tpu.memory_space<vmem>> -> memref<1x64xf32, #tpu.memory_space<vmem>>
      %dma_start3A_393 = arith.constant 0 : i32
      %dma_start3A_394 = tpu.memref_slice %arg5[%squeeze3A_390, %dma_start3A_393] : memref<100000x64xf32, #tpu.memory_space<hbm>> -> memref<1x64xf32, #tpu.memory_space<hbm>>
      %dma_start3A_395 = arith.constant 0 : i32
      %dma_start3A_396 = tpu.memref_slice %arg11[%add3A_378, %dma_start3A_395] : memref<128x64xf32, #tpu.memory_space<vmem>> -> memref<1x64xf32, #tpu.memory_space<vmem>>
      %dma_start3A_397 = arith.constant 0 : i32
      %dma_start3A_398 = tpu.memref_slice %arg5[%squeeze3A_390, %dma_start3A_397] : memref<100000x64xf32, #tpu.memory_space<hbm>> -> memref<1x64xf32, #tpu.memory_space<hbm>>
      tpu.enqueue_dma source(%dma_start3A_398 : memref<1x64xf32, #tpu.memory_space<hbm>>) target(%dma_start3A_396 : memref<1x64xf32, #tpu.memory_space<vmem>>) target_semaphore(%arg13 : memref<!tpu.dma_semaphore, #tpu.memory_space<semaphore_mem>>)
      %dma_wait3A = arith.constant 0 : i32
      %dma_wait3A_399 = tpu.memref_slice %arg10[%add3A_21, %dma_wait3A] : memref<128x64xf32, #tpu.memory_space<vmem>> -> memref<1x64xf32, #tpu.memory_space<vmem>>
      %dma_wait3A_400 = arith.constant 0 : i32
      %dma_wait3A_401 = tpu.memref_slice %arg4[%squeeze3A, %dma_wait3A_400] : memref<1000000x64xf32, #tpu.memory_space<hbm>> -> memref<1x64xf32, #tpu.memory_space<hbm>>
      %dma_wait3A_402 = arith.constant 0 : i32
      %dma_wait3A_403 = tpu.memref_slice %arg10[%add3A_21, %dma_wait3A_402] : memref<128x64xf32, #tpu.memory_space<vmem>> -> memref<1x64xf32, #tpu.memory_space<vmem>>
      %dma_wait3A_404 = arith.constant 0 : i32
      %dma_wait3A_405 = tpu.memref_slice %arg4[%squeeze3A, %dma_wait3A_404] : memref<1000000x64xf32, #tpu.memory_space<hbm>> -> memref<1x64xf32, #tpu.memory_space<hbm>>
      tpu.wait_dma2 semaphore(%arg12 : memref<!tpu.dma_semaphore, #tpu.memory_space<semaphore_mem>>) src(%dma_wait3A_405 : memref<1x64xf32, #tpu.memory_space<hbm>>) dst(%dma_wait3A_403 : memref<1x64xf32, #tpu.memory_space<vmem>>)
      %dma_wait3A_406 = arith.constant 0 : i32
      %dma_wait3A_407 = tpu.memref_slice %arg11[%add3A_21, %dma_wait3A_406] : memref<128x64xf32, #tpu.memory_space<vmem>> -> memref<1x64xf32, #tpu.memory_space<vmem>>
      %dma_wait3A_408 = arith.constant 0 : i32
      %dma_wait3A_409 = tpu.memref_slice %arg5[%squeeze3A_30, %dma_wait3A_408] : memref<100000x64xf32, #tpu.memory_space<hbm>> -> memref<1x64xf32, #tpu.memory_space<hbm>>
      %dma_wait3A_410 = arith.constant 0 : i32
      %dma_wait3A_411 = tpu.memref_slice %arg11[%add3A_21, %dma_wait3A_410] : memref<128x64xf32, #tpu.memory_space<vmem>> -> memref<1x64xf32, #tpu.memory_space<vmem>>
      %dma_wait3A_412 = arith.constant 0 : i32
      %dma_wait3A_413 = tpu.memref_slice %arg5[%squeeze3A_30, %dma_wait3A_412] : memref<100000x64xf32, #tpu.memory_space<hbm>> -> memref<1x64xf32, #tpu.memory_space<hbm>>
      tpu.wait_dma2 semaphore(%arg13 : memref<!tpu.dma_semaphore, #tpu.memory_space<semaphore_mem>>) src(%dma_wait3A_413 : memref<1x64xf32, #tpu.memory_space<hbm>>) dst(%dma_wait3A_411 : memref<1x64xf32, #tpu.memory_space<vmem>>)
      %dma_wait3A_414 = arith.constant 0 : i32
      %dma_wait3A_415 = tpu.memref_slice %arg10[%add3A_42, %dma_wait3A_414] : memref<128x64xf32, #tpu.memory_space<vmem>> -> memref<1x64xf32, #tpu.memory_space<vmem>>
      %dma_wait3A_416 = arith.constant 0 : i32
      %dma_wait3A_417 = tpu.memref_slice %arg4[%squeeze3A_44, %dma_wait3A_416] : memref<1000000x64xf32, #tpu.memory_space<hbm>> -> memref<1x64xf32, #tpu.memory_space<hbm>>
      %dma_wait3A_418 = arith.constant 0 : i32
      %dma_wait3A_419 = tpu.memref_slice %arg10[%add3A_42, %dma_wait3A_418] : memref<128x64xf32, #tpu.memory_space<vmem>> -> memref<1x64xf32, #tpu.memory_space<vmem>>
      %dma_wait3A_420 = arith.constant 0 : i32
      %dma_wait3A_421 = tpu.memref_slice %arg4[%squeeze3A_44, %dma_wait3A_420] : memref<1000000x64xf32, #tpu.memory_space<hbm>> -> memref<1x64xf32, #tpu.memory_space<hbm>>
      tpu.wait_dma2 semaphore(%arg12 : memref<!tpu.dma_semaphore, #tpu.memory_space<semaphore_mem>>) src(%dma_wait3A_421 : memref<1x64xf32, #tpu.memory_space<hbm>>) dst(%dma_wait3A_419 : memref<1x64xf32, #tpu.memory_space<vmem>>)
      %dma_wait3A_422 = arith.constant 0 : i32
      %dma_wait3A_423 = tpu.memref_slice %arg11[%add3A_42, %dma_wait3A_422] : memref<128x64xf32, #tpu.memory_space<vmem>> -> memref<1x64xf32, #tpu.memory_space<vmem>>
      %dma_wait3A_424 = arith.constant 0 : i32
      %dma_wait3A_425 = tpu.memref_slice %arg5[%squeeze3A_54, %dma_wait3A_424] : memref<100000x64xf32, #tpu.memory_space<hbm>> -> memref<1x64xf32, #tpu.memory_space<hbm>>
      %dma_wait3A_426 = arith.constant 0 : i32
      %dma_wait3A_427 = tpu.memref_slice %arg11[%add3A_42, %dma_wait3A_426] : memref<128x64xf32, #tpu.memory_space<vmem>> -> memref<1x64xf32, #tpu.memory_space<vmem>>
      %dma_wait3A_428 = arith.constant 0 : i32
      %dma_wait3A_429 = tpu.memref_slice %arg5[%squeeze3A_54, %dma_wait3A_428] : memref<100000x64xf32, #tpu.memory_space<hbm>> -> memref<1x64xf32, #tpu.memory_space<hbm>>
      tpu.wait_dma2 semaphore(%arg13 : memref<!tpu.dma_semaphore, #tpu.memory_space<semaphore_mem>>) src(%dma_wait3A_429 : memref<1x64xf32, #tpu.memory_space<hbm>>) dst(%dma_wait3A_427 : memref<1x64xf32, #tpu.memory_space<vmem>>)
      %dma_wait3A_430 = arith.constant 0 : i32
      %dma_wait3A_431 = tpu.memref_slice %arg10[%add3A_66, %dma_wait3A_430] : memref<128x64xf32, #tpu.memory_space<vmem>> -> memref<1x64xf32, #tpu.memory_space<vmem>>
      %dma_wait3A_432 = arith.constant 0 : i32
      %dma_wait3A_433 = tpu.memref_slice %arg4[%squeeze3A_68, %dma_wait3A_432] : memref<1000000x64xf32, #tpu.memory_space<hbm>> -> memref<1x64xf32, #tpu.memory_space<hbm>>
      %dma_wait3A_434 = arith.constant 0 : i32
      %dma_wait3A_435 = tpu.memref_slice %arg10[%add3A_66, %dma_wait3A_434] : memref<128x64xf32, #tpu.memory_space<vmem>> -> memref<1x64xf32, #tpu.memory_space<vmem>>
      %dma_wait3A_436 = arith.constant 0 : i32
      %dma_wait3A_437 = tpu.memref_slice %arg4[%squeeze3A_68, %dma_wait3A_436] : memref<1000000x64xf32, #tpu.memory_space<hbm>> -> memref<1x64xf32, #tpu.memory_space<hbm>>
      tpu.wait_dma2 semaphore(%arg12 : memref<!tpu.dma_semaphore, #tpu.memory_space<semaphore_mem>>) src(%dma_wait3A_437 : memref<1x64xf32, #tpu.memory_space<hbm>>) dst(%dma_wait3A_435 : memref<1x64xf32, #tpu.memory_space<vmem>>)
      %dma_wait3A_438 = arith.constant 0 : i32
      %dma_wait3A_439 = tpu.memref_slice %arg11[%add3A_66, %dma_wait3A_438] : memref<128x64xf32, #tpu.memory_space<vmem>> -> memref<1x64xf32, #tpu.memory_space<vmem>>
      %dma_wait3A_440 = arith.constant 0 : i32
      %dma_wait3A_441 = tpu.memref_slice %arg5[%squeeze3A_78, %dma_wait3A_440] : memref<100000x64xf32, #tpu.memory_space<hbm>> -> memref<1x64xf32, #tpu.memory_space<hbm>>
      %dma_wait3A_442 = arith.constant 0 : i32
      %dma_wait3A_443 = tpu.memref_slice %arg11[%add3A_66, %dma_wait3A_442] : memref<128x64xf32, #tpu.memory_space<vmem>> -> memref<1x64xf32, #tpu.memory_space<vmem>>
      %dma_wait3A_444 = arith.constant 0 : i32
      %dma_wait3A_445 = tpu.memref_slice %arg5[%squeeze3A_78, %dma_wait3A_444] : memref<100000x64xf32, #tpu.memory_space<hbm>> -> memref<1x64xf32, #tpu.memory_space<hbm>>
      tpu.wait_dma2 semaphore(%arg13 : memref<!tpu.dma_semaphore, #tpu.memory_space<semaphore_mem>>) src(%dma_wait3A_445 : memref<1x64xf32, #tpu.memory_space<hbm>>) dst(%dma_wait3A_443 : memref<1x64xf32, #tpu.memory_space<vmem>>)
      %dma_wait3A_446 = arith.constant 0 : i32
      %dma_wait3A_447 = tpu.memref_slice %arg10[%add3A_90, %dma_wait3A_446] : memref<128x64xf32, #tpu.memory_space<vmem>> -> memref<1x64xf32, #tpu.memory_space<vmem>>
      %dma_wait3A_448 = arith.constant 0 : i32
      %dma_wait3A_449 = tpu.memref_slice %arg4[%squeeze3A_92, %dma_wait3A_448] : memref<1000000x64xf32, #tpu.memory_space<hbm>> -> memref<1x64xf32, #tpu.memory_space<hbm>>
      %dma_wait3A_450 = arith.constant 0 : i32
      %dma_wait3A_451 = tpu.memref_slice %arg10[%add3A_90, %dma_wait3A_450] : memref<128x64xf32, #tpu.memory_space<vmem>> -> memref<1x64xf32, #tpu.memory_space<vmem>>
      %dma_wait3A_452 = arith.constant 0 : i32
      %dma_wait3A_453 = tpu.memref_slice %arg4[%squeeze3A_92, %dma_wait3A_452] : memref<1000000x64xf32, #tpu.memory_space<hbm>> -> memref<1x64xf32, #tpu.memory_space<hbm>>
      tpu.wait_dma2 semaphore(%arg12 : memref<!tpu.dma_semaphore, #tpu.memory_space<semaphore_mem>>) src(%dma_wait3A_453 : memref<1x64xf32, #tpu.memory_space<hbm>>) dst(%dma_wait3A_451 : memref<1x64xf32, #tpu.memory_space<vmem>>)
      %dma_wait3A_454 = arith.constant 0 : i32
      %dma_wait3A_455 = tpu.memref_slice %arg11[%add3A_90, %dma_wait3A_454] : memref<128x64xf32, #tpu.memory_space<vmem>> -> memref<1x64xf32, #tpu.memory_space<vmem>>
      %dma_wait3A_456 = arith.constant 0 : i32
      %dma_wait3A_457 = tpu.memref_slice %arg5[%squeeze3A_102, %dma_wait3A_456] : memref<100000x64xf32, #tpu.memory_space<hbm>> -> memref<1x64xf32, #tpu.memory_space<hbm>>
      %dma_wait3A_458 = arith.constant 0 : i32
      %dma_wait3A_459 = tpu.memref_slice %arg11[%add3A_90, %dma_wait3A_458] : memref<128x64xf32, #tpu.memory_space<vmem>> -> memref<1x64xf32, #tpu.memory_space<vmem>>
      %dma_wait3A_460 = arith.constant 0 : i32
      %dma_wait3A_461 = tpu.memref_slice %arg5[%squeeze3A_102, %dma_wait3A_460] : memref<100000x64xf32, #tpu.memory_space<hbm>> -> memref<1x64xf32, #tpu.memory_space<hbm>>
      tpu.wait_dma2 semaphore(%arg13 : memref<!tpu.dma_semaphore, #tpu.memory_space<semaphore_mem>>) src(%dma_wait3A_461 : memref<1x64xf32, #tpu.memory_space<hbm>>) dst(%dma_wait3A_459 : memref<1x64xf32, #tpu.memory_space<vmem>>)
      %dma_wait3A_462 = arith.constant 0 : i32
      %dma_wait3A_463 = tpu.memref_slice %arg10[%add3A_114, %dma_wait3A_462] : memref<128x64xf32, #tpu.memory_space<vmem>> -> memref<1x64xf32, #tpu.memory_space<vmem>>
      %dma_wait3A_464 = arith.constant 0 : i32
      %dma_wait3A_465 = tpu.memref_slice %arg4[%squeeze3A_116, %dma_wait3A_464] : memref<1000000x64xf32, #tpu.memory_space<hbm>> -> memref<1x64xf32, #tpu.memory_space<hbm>>
      %dma_wait3A_466 = arith.constant 0 : i32
      %dma_wait3A_467 = tpu.memref_slice %arg10[%add3A_114, %dma_wait3A_466] : memref<128x64xf32, #tpu.memory_space<vmem>> -> memref<1x64xf32, #tpu.memory_space<vmem>>
      %dma_wait3A_468 = arith.constant 0 : i32
      %dma_wait3A_469 = tpu.memref_slice %arg4[%squeeze3A_116, %dma_wait3A_468] : memref<1000000x64xf32, #tpu.memory_space<hbm>> -> memref<1x64xf32, #tpu.memory_space<hbm>>
      tpu.wait_dma2 semaphore(%arg12 : memref<!tpu.dma_semaphore, #tpu.memory_space<semaphore_mem>>) src(%dma_wait3A_469 : memref<1x64xf32, #tpu.memory_space<hbm>>) dst(%dma_wait3A_467 : memref<1x64xf32, #tpu.memory_space<vmem>>)
      %dma_wait3A_470 = arith.constant 0 : i32
      %dma_wait3A_471 = tpu.memref_slice %arg11[%add3A_114, %dma_wait3A_470] : memref<128x64xf32, #tpu.memory_space<vmem>> -> memref<1x64xf32, #tpu.memory_space<vmem>>
      %dma_wait3A_472 = arith.constant 0 : i32
      %dma_wait3A_473 = tpu.memref_slice %arg5[%squeeze3A_126, %dma_wait3A_472] : memref<100000x64xf32, #tpu.memory_space<hbm>> -> memref<1x64xf32, #tpu.memory_space<hbm>>
      %dma_wait3A_474 = arith.constant 0 : i32
      %dma_wait3A_475 = tpu.memref_slice %arg11[%add3A_114, %dma_wait3A_474] : memref<128x64xf32, #tpu.memory_space<vmem>> -> memref<1x64xf32, #tpu.memory_space<vmem>>
      %dma_wait3A_476 = arith.constant 0 : i32
      %dma_wait3A_477 = tpu.memref_slice %arg5[%squeeze3A_126, %dma_wait3A_476] : memref<100000x64xf32, #tpu.memory_space<hbm>> -> memref<1x64xf32, #tpu.memory_space<hbm>>
      tpu.wait_dma2 semaphore(%arg13 : memref<!tpu.dma_semaphore, #tpu.memory_space<semaphore_mem>>) src(%dma_wait3A_477 : memref<1x64xf32, #tpu.memory_space<hbm>>) dst(%dma_wait3A_475 : memref<1x64xf32, #tpu.memory_space<vmem>>)
      %dma_wait3A_478 = arith.constant 0 : i32
      %dma_wait3A_479 = tpu.memref_slice %arg10[%add3A_138, %dma_wait3A_478] : memref<128x64xf32, #tpu.memory_space<vmem>> -> memref<1x64xf32, #tpu.memory_space<vmem>>
      %dma_wait3A_480 = arith.constant 0 : i32
      %dma_wait3A_481 = tpu.memref_slice %arg4[%squeeze3A_140, %dma_wait3A_480] : memref<1000000x64xf32, #tpu.memory_space<hbm>> -> memref<1x64xf32, #tpu.memory_space<hbm>>
      %dma_wait3A_482 = arith.constant 0 : i32
      %dma_wait3A_483 = tpu.memref_slice %arg10[%add3A_138, %dma_wait3A_482] : memref<128x64xf32, #tpu.memory_space<vmem>> -> memref<1x64xf32, #tpu.memory_space<vmem>>
      %dma_wait3A_484 = arith.constant 0 : i32
      %dma_wait3A_485 = tpu.memref_slice %arg4[%squeeze3A_140, %dma_wait3A_484] : memref<1000000x64xf32, #tpu.memory_space<hbm>> -> memref<1x64xf32, #tpu.memory_space<hbm>>
      tpu.wait_dma2 semaphore(%arg12 : memref<!tpu.dma_semaphore, #tpu.memory_space<semaphore_mem>>) src(%dma_wait3A_485 : memref<1x64xf32, #tpu.memory_space<hbm>>) dst(%dma_wait3A_483 : memref<1x64xf32, #tpu.memory_space<vmem>>)
      %dma_wait3A_486 = arith.constant 0 : i32
      %dma_wait3A_487 = tpu.memref_slice %arg11[%add3A_138, %dma_wait3A_486] : memref<128x64xf32, #tpu.memory_space<vmem>> -> memref<1x64xf32, #tpu.memory_space<vmem>>
      %dma_wait3A_488 = arith.constant 0 : i32
      %dma_wait3A_489 = tpu.memref_slice %arg5[%squeeze3A_150, %dma_wait3A_488] : memref<100000x64xf32, #tpu.memory_space<hbm>> -> memref<1x64xf32, #tpu.memory_space<hbm>>
      %dma_wait3A_490 = arith.constant 0 : i32
      %dma_wait3A_491 = tpu.memref_slice %arg11[%add3A_138, %dma_wait3A_490] : memref<128x64xf32, #tpu.memory_space<vmem>> -> memref<1x64xf32, #tpu.memory_space<vmem>>
      %dma_wait3A_492 = arith.constant 0 : i32
      %dma_wait3A_493 = tpu.memref_slice %arg5[%squeeze3A_150, %dma_wait3A_492] : memref<100000x64xf32, #tpu.memory_space<hbm>> -> memref<1x64xf32, #tpu.memory_space<hbm>>
      tpu.wait_dma2 semaphore(%arg13 : memref<!tpu.dma_semaphore, #tpu.memory_space<semaphore_mem>>) src(%dma_wait3A_493 : memref<1x64xf32, #tpu.memory_space<hbm>>) dst(%dma_wait3A_491 : memref<1x64xf32, #tpu.memory_space<vmem>>)
      %dma_wait3A_494 = arith.constant 0 : i32
      %dma_wait3A_495 = tpu.memref_slice %arg10[%add3A_162, %dma_wait3A_494] : memref<128x64xf32, #tpu.memory_space<vmem>> -> memref<1x64xf32, #tpu.memory_space<vmem>>
      %dma_wait3A_496 = arith.constant 0 : i32
      %dma_wait3A_497 = tpu.memref_slice %arg4[%squeeze3A_164, %dma_wait3A_496] : memref<1000000x64xf32, #tpu.memory_space<hbm>> -> memref<1x64xf32, #tpu.memory_space<hbm>>
      %dma_wait3A_498 = arith.constant 0 : i32
      %dma_wait3A_499 = tpu.memref_slice %arg10[%add3A_162, %dma_wait3A_498] : memref<128x64xf32, #tpu.memory_space<vmem>> -> memref<1x64xf32, #tpu.memory_space<vmem>>
      %dma_wait3A_500 = arith.constant 0 : i32
      %dma_wait3A_501 = tpu.memref_slice %arg4[%squeeze3A_164, %dma_wait3A_500] : memref<1000000x64xf32, #tpu.memory_space<hbm>> -> memref<1x64xf32, #tpu.memory_space<hbm>>
      tpu.wait_dma2 semaphore(%arg12 : memref<!tpu.dma_semaphore, #tpu.memory_space<semaphore_mem>>) src(%dma_wait3A_501 : memref<1x64xf32, #tpu.memory_space<hbm>>) dst(%dma_wait3A_499 : memref<1x64xf32, #tpu.memory_space<vmem>>)
      %dma_wait3A_502 = arith.constant 0 : i32
      %dma_wait3A_503 = tpu.memref_slice %arg11[%add3A_162, %dma_wait3A_502] : memref<128x64xf32, #tpu.memory_space<vmem>> -> memref<1x64xf32, #tpu.memory_space<vmem>>
      %dma_wait3A_504 = arith.constant 0 : i32
      %dma_wait3A_505 = tpu.memref_slice %arg5[%squeeze3A_174, %dma_wait3A_504] : memref<100000x64xf32, #tpu.memory_space<hbm>> -> memref<1x64xf32, #tpu.memory_space<hbm>>
      %dma_wait3A_506 = arith.constant 0 : i32
      %dma_wait3A_507 = tpu.memref_slice %arg11[%add3A_162, %dma_wait3A_506] : memref<128x64xf32, #tpu.memory_space<vmem>> -> memref<1x64xf32, #tpu.memory_space<vmem>>
      %dma_wait3A_508 = arith.constant 0 : i32
      %dma_wait3A_509 = tpu.memref_slice %arg5[%squeeze3A_174, %dma_wait3A_508] : memref<100000x64xf32, #tpu.memory_space<hbm>> -> memref<1x64xf32, #tpu.memory_space<hbm>>
      tpu.wait_dma2 semaphore(%arg13 : memref<!tpu.dma_semaphore, #tpu.memory_space<semaphore_mem>>) src(%dma_wait3A_509 : memref<1x64xf32, #tpu.memory_space<hbm>>) dst(%dma_wait3A_507 : memref<1x64xf32, #tpu.memory_space<vmem>>)
      %dma_wait3A_510 = arith.constant 0 : i32
      %dma_wait3A_511 = tpu.memref_slice %arg10[%add3A_186, %dma_wait3A_510] : memref<128x64xf32, #tpu.memory_space<vmem>> -> memref<1x64xf32, #tpu.memory_space<vmem>>
      %dma_wait3A_512 = arith.constant 0 : i32
      %dma_wait3A_513 = tpu.memref_slice %arg4[%squeeze3A_188, %dma_wait3A_512] : memref<1000000x64xf32, #tpu.memory_space<hbm>> -> memref<1x64xf32, #tpu.memory_space<hbm>>
      %dma_wait3A_514 = arith.constant 0 : i32
      %dma_wait3A_515 = tpu.memref_slice %arg10[%add3A_186, %dma_wait3A_514] : memref<128x64xf32, #tpu.memory_space<vmem>> -> memref<1x64xf32, #tpu.memory_space<vmem>>
      %dma_wait3A_516 = arith.constant 0 : i32
      %dma_wait3A_517 = tpu.memref_slice %arg4[%squeeze3A_188, %dma_wait3A_516] : memref<1000000x64xf32, #tpu.memory_space<hbm>> -> memref<1x64xf32, #tpu.memory_space<hbm>>
      tpu.wait_dma2 semaphore(%arg12 : memref<!tpu.dma_semaphore, #tpu.memory_space<semaphore_mem>>) src(%dma_wait3A_517 : memref<1x64xf32, #tpu.memory_space<hbm>>) dst(%dma_wait3A_515 : memref<1x64xf32, #tpu.memory_space<vmem>>)
      %dma_wait3A_518 = arith.constant 0 : i32
      %dma_wait3A_519 = tpu.memref_slice %arg11[%add3A_186, %dma_wait3A_518] : memref<128x64xf32, #tpu.memory_space<vmem>> -> memref<1x64xf32, #tpu.memory_space<vmem>>
      %dma_wait3A_520 = arith.constant 0 : i32
      %dma_wait3A_521 = tpu.memref_slice %arg5[%squeeze3A_198, %dma_wait3A_520] : memref<100000x64xf32, #tpu.memory_space<hbm>> -> memref<1x64xf32, #tpu.memory_space<hbm>>
      %dma_wait3A_522 = arith.constant 0 : i32
      %dma_wait3A_523 = tpu.memref_slice %arg11[%add3A_186, %dma_wait3A_522] : memref<128x64xf32, #tpu.memory_space<vmem>> -> memref<1x64xf32, #tpu.memory_space<vmem>>
      %dma_wait3A_524 = arith.constant 0 : i32
      %dma_wait3A_525 = tpu.memref_slice %arg5[%squeeze3A_198, %dma_wait3A_524] : memref<100000x64xf32, #tpu.memory_space<hbm>> -> memref<1x64xf32, #tpu.memory_space<hbm>>
      tpu.wait_dma2 semaphore(%arg13 : memref<!tpu.dma_semaphore, #tpu.memory_space<semaphore_mem>>) src(%dma_wait3A_525 : memref<1x64xf32, #tpu.memory_space<hbm>>) dst(%dma_wait3A_523 : memref<1x64xf32, #tpu.memory_space<vmem>>)
      %dma_wait3A_526 = arith.constant 0 : i32
      %dma_wait3A_527 = tpu.memref_slice %arg10[%add3A_210, %dma_wait3A_526] : memref<128x64xf32, #tpu.memory_space<vmem>> -> memref<1x64xf32, #tpu.memory_space<vmem>>
      %dma_wait3A_528 = arith.constant 0 : i32
      %dma_wait3A_529 = tpu.memref_slice %arg4[%squeeze3A_212, %dma_wait3A_528] : memref<1000000x64xf32, #tpu.memory_space<hbm>> -> memref<1x64xf32, #tpu.memory_space<hbm>>
      %dma_wait3A_530 = arith.constant 0 : i32
      %dma_wait3A_531 = tpu.memref_slice %arg10[%add3A_210, %dma_wait3A_530] : memref<128x64xf32, #tpu.memory_space<vmem>> -> memref<1x64xf32, #tpu.memory_space<vmem>>
      %dma_wait3A_532 = arith.constant 0 : i32
      %dma_wait3A_533 = tpu.memref_slice %arg4[%squeeze3A_212, %dma_wait3A_532] : memref<1000000x64xf32, #tpu.memory_space<hbm>> -> memref<1x64xf32, #tpu.memory_space<hbm>>
      tpu.wait_dma2 semaphore(%arg12 : memref<!tpu.dma_semaphore, #tpu.memory_space<semaphore_mem>>) src(%dma_wait3A_533 : memref<1x64xf32, #tpu.memory_space<hbm>>) dst(%dma_wait3A_531 : memref<1x64xf32, #tpu.memory_space<vmem>>)
      %dma_wait3A_534 = arith.constant 0 : i32
      %dma_wait3A_535 = tpu.memref_slice %arg11[%add3A_210, %dma_wait3A_534] : memref<128x64xf32, #tpu.memory_space<vmem>> -> memref<1x64xf32, #tpu.memory_space<vmem>>
      %dma_wait3A_536 = arith.constant 0 : i32
      %dma_wait3A_537 = tpu.memref_slice %arg5[%squeeze3A_222, %dma_wait3A_536] : memref<100000x64xf32, #tpu.memory_space<hbm>> -> memref<1x64xf32, #tpu.memory_space<hbm>>
      %dma_wait3A_538 = arith.constant 0 : i32
      %dma_wait3A_539 = tpu.memref_slice %arg11[%add3A_210, %dma_wait3A_538] : memref<128x64xf32, #tpu.memory_space<vmem>> -> memref<1x64xf32, #tpu.memory_space<vmem>>
      %dma_wait3A_540 = arith.constant 0 : i32
      %dma_wait3A_541 = tpu.memref_slice %arg5[%squeeze3A_222, %dma_wait3A_540] : memref<100000x64xf32, #tpu.memory_space<hbm>> -> memref<1x64xf32, #tpu.memory_space<hbm>>
      tpu.wait_dma2 semaphore(%arg13 : memref<!tpu.dma_semaphore, #tpu.memory_space<semaphore_mem>>) src(%dma_wait3A_541 : memref<1x64xf32, #tpu.memory_space<hbm>>) dst(%dma_wait3A_539 : memref<1x64xf32, #tpu.memory_space<vmem>>)
      %dma_wait3A_542 = arith.constant 0 : i32
      %dma_wait3A_543 = tpu.memref_slice %arg10[%add3A_234, %dma_wait3A_542] : memref<128x64xf32, #tpu.memory_space<vmem>> -> memref<1x64xf32, #tpu.memory_space<vmem>>
      %dma_wait3A_544 = arith.constant 0 : i32
      %dma_wait3A_545 = tpu.memref_slice %arg4[%squeeze3A_236, %dma_wait3A_544] : memref<1000000x64xf32, #tpu.memory_space<hbm>> -> memref<1x64xf32, #tpu.memory_space<hbm>>
      %dma_wait3A_546 = arith.constant 0 : i32
      %dma_wait3A_547 = tpu.memref_slice %arg10[%add3A_234, %dma_wait3A_546] : memref<128x64xf32, #tpu.memory_space<vmem>> -> memref<1x64xf32, #tpu.memory_space<vmem>>
      %dma_wait3A_548 = arith.constant 0 : i32
      %dma_wait3A_549 = tpu.memref_slice %arg4[%squeeze3A_236, %dma_wait3A_548] : memref<1000000x64xf32, #tpu.memory_space<hbm>> -> memref<1x64xf32, #tpu.memory_space<hbm>>
      tpu.wait_dma2 semaphore(%arg12 : memref<!tpu.dma_semaphore, #tpu.memory_space<semaphore_mem>>) src(%dma_wait3A_549 : memref<1x64xf32, #tpu.memory_space<hbm>>) dst(%dma_wait3A_547 : memref<1x64xf32, #tpu.memory_space<vmem>>)
      %dma_wait3A_550 = arith.constant 0 : i32
      %dma_wait3A_551 = tpu.memref_slice %arg11[%add3A_234, %dma_wait3A_550] : memref<128x64xf32, #tpu.memory_space<vmem>> -> memref<1x64xf32, #tpu.memory_space<vmem>>
      %dma_wait3A_552 = arith.constant 0 : i32
      %dma_wait3A_553 = tpu.memref_slice %arg5[%squeeze3A_246, %dma_wait3A_552] : memref<100000x64xf32, #tpu.memory_space<hbm>> -> memref<1x64xf32, #tpu.memory_space<hbm>>
      %dma_wait3A_554 = arith.constant 0 : i32
      %dma_wait3A_555 = tpu.memref_slice %arg11[%add3A_234, %dma_wait3A_554] : memref<128x64xf32, #tpu.memory_space<vmem>> -> memref<1x64xf32, #tpu.memory_space<vmem>>
      %dma_wait3A_556 = arith.constant 0 : i32
      %dma_wait3A_557 = tpu.memref_slice %arg5[%squeeze3A_246, %dma_wait3A_556] : memref<100000x64xf32, #tpu.memory_space<hbm>> -> memref<1x64xf32, #tpu.memory_space<hbm>>
      tpu.wait_dma2 semaphore(%arg13 : memref<!tpu.dma_semaphore, #tpu.memory_space<semaphore_mem>>) src(%dma_wait3A_557 : memref<1x64xf32, #tpu.memory_space<hbm>>) dst(%dma_wait3A_555 : memref<1x64xf32, #tpu.memory_space<vmem>>)
      %dma_wait3A_558 = arith.constant 0 : i32
      %dma_wait3A_559 = tpu.memref_slice %arg10[%add3A_258, %dma_wait3A_558] : memref<128x64xf32, #tpu.memory_space<vmem>> -> memref<1x64xf32, #tpu.memory_space<vmem>>
      %dma_wait3A_560 = arith.constant 0 : i32
      %dma_wait3A_561 = tpu.memref_slice %arg4[%squeeze3A_260, %dma_wait3A_560] : memref<1000000x64xf32, #tpu.memory_space<hbm>> -> memref<1x64xf32, #tpu.memory_space<hbm>>
      %dma_wait3A_562 = arith.constant 0 : i32
      %dma_wait3A_563 = tpu.memref_slice %arg10[%add3A_258, %dma_wait3A_562] : memref<128x64xf32, #tpu.memory_space<vmem>> -> memref<1x64xf32, #tpu.memory_space<vmem>>
      %dma_wait3A_564 = arith.constant 0 : i32
      %dma_wait3A_565 = tpu.memref_slice %arg4[%squeeze3A_260, %dma_wait3A_564] : memref<1000000x64xf32, #tpu.memory_space<hbm>> -> memref<1x64xf32, #tpu.memory_space<hbm>>
      tpu.wait_dma2 semaphore(%arg12 : memref<!tpu.dma_semaphore, #tpu.memory_space<semaphore_mem>>) src(%dma_wait3A_565 : memref<1x64xf32, #tpu.memory_space<hbm>>) dst(%dma_wait3A_563 : memref<1x64xf32, #tpu.memory_space<vmem>>)
      %dma_wait3A_566 = arith.constant 0 : i32
      %dma_wait3A_567 = tpu.memref_slice %arg11[%add3A_258, %dma_wait3A_566] : memref<128x64xf32, #tpu.memory_space<vmem>> -> memref<1x64xf32, #tpu.memory_space<vmem>>
      %dma_wait3A_568 = arith.constant 0 : i32
      %dma_wait3A_569 = tpu.memref_slice %arg5[%squeeze3A_270, %dma_wait3A_568] : memref<100000x64xf32, #tpu.memory_space<hbm>> -> memref<1x64xf32, #tpu.memory_space<hbm>>
      %dma_wait3A_570 = arith.constant 0 : i32
      %dma_wait3A_571 = tpu.memref_slice %arg11[%add3A_258, %dma_wait3A_570] : memref<128x64xf32, #tpu.memory_space<vmem>> -> memref<1x64xf32, #tpu.memory_space<vmem>>
      %dma_wait3A_572 = arith.constant 0 : i32
      %dma_wait3A_573 = tpu.memref_slice %arg5[%squeeze3A_270, %dma_wait3A_572] : memref<100000x64xf32, #tpu.memory_space<hbm>> -> memref<1x64xf32, #tpu.memory_space<hbm>>
      tpu.wait_dma2 semaphore(%arg13 : memref<!tpu.dma_semaphore, #tpu.memory_space<semaphore_mem>>) src(%dma_wait3A_573 : memref<1x64xf32, #tpu.memory_space<hbm>>) dst(%dma_wait3A_571 : memref<1x64xf32, #tpu.memory_space<vmem>>)
      %dma_wait3A_574 = arith.constant 0 : i32
      %dma_wait3A_575 = tpu.memref_slice %arg10[%add3A_282, %dma_wait3A_574] : memref<128x64xf32, #tpu.memory_space<vmem>> -> memref<1x64xf32, #tpu.memory_space<vmem>>
      %dma_wait3A_576 = arith.constant 0 : i32
      %dma_wait3A_577 = tpu.memref_slice %arg4[%squeeze3A_284, %dma_wait3A_576] : memref<1000000x64xf32, #tpu.memory_space<hbm>> -> memref<1x64xf32, #tpu.memory_space<hbm>>
      %dma_wait3A_578 = arith.constant 0 : i32
      %dma_wait3A_579 = tpu.memref_slice %arg10[%add3A_282, %dma_wait3A_578] : memref<128x64xf32, #tpu.memory_space<vmem>> -> memref<1x64xf32, #tpu.memory_space<vmem>>
      %dma_wait3A_580 = arith.constant 0 : i32
      %dma_wait3A_581 = tpu.memref_slice %arg4[%squeeze3A_284, %dma_wait3A_580] : memref<1000000x64xf32, #tpu.memory_space<hbm>> -> memref<1x64xf32, #tpu.memory_space<hbm>>
      tpu.wait_dma2 semaphore(%arg12 : memref<!tpu.dma_semaphore, #tpu.memory_space<semaphore_mem>>) src(%dma_wait3A_581 : memref<1x64xf32, #tpu.memory_space<hbm>>) dst(%dma_wait3A_579 : memref<1x64xf32, #tpu.memory_space<vmem>>)
      %dma_wait3A_582 = arith.constant 0 : i32
      %dma_wait3A_583 = tpu.memref_slice %arg11[%add3A_282, %dma_wait3A_582] : memref<128x64xf32, #tpu.memory_space<vmem>> -> memref<1x64xf32, #tpu.memory_space<vmem>>
      %dma_wait3A_584 = arith.constant 0 : i32
      %dma_wait3A_585 = tpu.memref_slice %arg5[%squeeze3A_294, %dma_wait3A_584] : memref<100000x64xf32, #tpu.memory_space<hbm>> -> memref<1x64xf32, #tpu.memory_space<hbm>>
      %dma_wait3A_586 = arith.constant 0 : i32
      %dma_wait3A_587 = tpu.memref_slice %arg11[%add3A_282, %dma_wait3A_586] : memref<128x64xf32, #tpu.memory_space<vmem>> -> memref<1x64xf32, #tpu.memory_space<vmem>>
      %dma_wait3A_588 = arith.constant 0 : i32
      %dma_wait3A_589 = tpu.memref_slice %arg5[%squeeze3A_294, %dma_wait3A_588] : memref<100000x64xf32, #tpu.memory_space<hbm>> -> memref<1x64xf32, #tpu.memory_space<hbm>>
      tpu.wait_dma2 semaphore(%arg13 : memref<!tpu.dma_semaphore, #tpu.memory_space<semaphore_mem>>) src(%dma_wait3A_589 : memref<1x64xf32, #tpu.memory_space<hbm>>) dst(%dma_wait3A_587 : memref<1x64xf32, #tpu.memory_space<vmem>>)
      %dma_wait3A_590 = arith.constant 0 : i32
      %dma_wait3A_591 = tpu.memref_slice %arg10[%add3A_306, %dma_wait3A_590] : memref<128x64xf32, #tpu.memory_space<vmem>> -> memref<1x64xf32, #tpu.memory_space<vmem>>
      %dma_wait3A_592 = arith.constant 0 : i32
      %dma_wait3A_593 = tpu.memref_slice %arg4[%squeeze3A_308, %dma_wait3A_592] : memref<1000000x64xf32, #tpu.memory_space<hbm>> -> memref<1x64xf32, #tpu.memory_space<hbm>>
      %dma_wait3A_594 = arith.constant 0 : i32
      %dma_wait3A_595 = tpu.memref_slice %arg10[%add3A_306, %dma_wait3A_594] : memref<128x64xf32, #tpu.memory_space<vmem>> -> memref<1x64xf32, #tpu.memory_space<vmem>>
      %dma_wait3A_596 = arith.constant 0 : i32
      %dma_wait3A_597 = tpu.memref_slice %arg4[%squeeze3A_308, %dma_wait3A_596] : memref<1000000x64xf32, #tpu.memory_space<hbm>> -> memref<1x64xf32, #tpu.memory_space<hbm>>
      tpu.wait_dma2 semaphore(%arg12 : memref<!tpu.dma_semaphore, #tpu.memory_space<semaphore_mem>>) src(%dma_wait3A_597 : memref<1x64xf32, #tpu.memory_space<hbm>>) dst(%dma_wait3A_595 : memref<1x64xf32, #tpu.memory_space<vmem>>)
      %dma_wait3A_598 = arith.constant 0 : i32
      %dma_wait3A_599 = tpu.memref_slice %arg11[%add3A_306, %dma_wait3A_598] : memref<128x64xf32, #tpu.memory_space<vmem>> -> memref<1x64xf32, #tpu.memory_space<vmem>>
      %dma_wait3A_600 = arith.constant 0 : i32
      %dma_wait3A_601 = tpu.memref_slice %arg5[%squeeze3A_318, %dma_wait3A_600] : memref<100000x64xf32, #tpu.memory_space<hbm>> -> memref<1x64xf32, #tpu.memory_space<hbm>>
      %dma_wait3A_602 = arith.constant 0 : i32
      %dma_wait3A_603 = tpu.memref_slice %arg11[%add3A_306, %dma_wait3A_602] : memref<128x64xf32, #tpu.memory_space<vmem>> -> memref<1x64xf32, #tpu.memory_space<vmem>>
      %dma_wait3A_604 = arith.constant 0 : i32
      %dma_wait3A_605 = tpu.memref_slice %arg5[%squeeze3A_318, %dma_wait3A_604] : memref<100000x64xf32, #tpu.memory_space<hbm>> -> memref<1x64xf32, #tpu.memory_space<hbm>>
      tpu.wait_dma2 semaphore(%arg13 : memref<!tpu.dma_semaphore, #tpu.memory_space<semaphore_mem>>) src(%dma_wait3A_605 : memref<1x64xf32, #tpu.memory_space<hbm>>) dst(%dma_wait3A_603 : memref<1x64xf32, #tpu.memory_space<vmem>>)
      %dma_wait3A_606 = arith.constant 0 : i32
      %dma_wait3A_607 = tpu.memref_slice %arg10[%add3A_330, %dma_wait3A_606] : memref<128x64xf32, #tpu.memory_space<vmem>> -> memref<1x64xf32, #tpu.memory_space<vmem>>
      %dma_wait3A_608 = arith.constant 0 : i32
      %dma_wait3A_609 = tpu.memref_slice %arg4[%squeeze3A_332, %dma_wait3A_608] : memref<1000000x64xf32, #tpu.memory_space<hbm>> -> memref<1x64xf32, #tpu.memory_space<hbm>>
      %dma_wait3A_610 = arith.constant 0 : i32
      %dma_wait3A_611 = tpu.memref_slice %arg10[%add3A_330, %dma_wait3A_610] : memref<128x64xf32, #tpu.memory_space<vmem>> -> memref<1x64xf32, #tpu.memory_space<vmem>>
      %dma_wait3A_612 = arith.constant 0 : i32
      %dma_wait3A_613 = tpu.memref_slice %arg4[%squeeze3A_332, %dma_wait3A_612] : memref<1000000x64xf32, #tpu.memory_space<hbm>> -> memref<1x64xf32, #tpu.memory_space<hbm>>
      tpu.wait_dma2 semaphore(%arg12 : memref<!tpu.dma_semaphore, #tpu.memory_space<semaphore_mem>>) src(%dma_wait3A_613 : memref<1x64xf32, #tpu.memory_space<hbm>>) dst(%dma_wait3A_611 : memref<1x64xf32, #tpu.memory_space<vmem>>)
      %dma_wait3A_614 = arith.constant 0 : i32
      %dma_wait3A_615 = tpu.memref_slice %arg11[%add3A_330, %dma_wait3A_614] : memref<128x64xf32, #tpu.memory_space<vmem>> -> memref<1x64xf32, #tpu.memory_space<vmem>>
      %dma_wait3A_616 = arith.constant 0 : i32
      %dma_wait3A_617 = tpu.memref_slice %arg5[%squeeze3A_342, %dma_wait3A_616] : memref<100000x64xf32, #tpu.memory_space<hbm>> -> memref<1x64xf32, #tpu.memory_space<hbm>>
      %dma_wait3A_618 = arith.constant 0 : i32
      %dma_wait3A_619 = tpu.memref_slice %arg11[%add3A_330, %dma_wait3A_618] : memref<128x64xf32, #tpu.memory_space<vmem>> -> memref<1x64xf32, #tpu.memory_space<vmem>>
      %dma_wait3A_620 = arith.constant 0 : i32
      %dma_wait3A_621 = tpu.memref_slice %arg5[%squeeze3A_342, %dma_wait3A_620] : memref<100000x64xf32, #tpu.memory_space<hbm>> -> memref<1x64xf32, #tpu.memory_space<hbm>>
      tpu.wait_dma2 semaphore(%arg13 : memref<!tpu.dma_semaphore, #tpu.memory_space<semaphore_mem>>) src(%dma_wait3A_621 : memref<1x64xf32, #tpu.memory_space<hbm>>) dst(%dma_wait3A_619 : memref<1x64xf32, #tpu.memory_space<vmem>>)
      %dma_wait3A_622 = arith.constant 0 : i32
      %dma_wait3A_623 = tpu.memref_slice %arg10[%add3A_354, %dma_wait3A_622] : memref<128x64xf32, #tpu.memory_space<vmem>> -> memref<1x64xf32, #tpu.memory_space<vmem>>
      %dma_wait3A_624 = arith.constant 0 : i32
      %dma_wait3A_625 = tpu.memref_slice %arg4[%squeeze3A_356, %dma_wait3A_624] : memref<1000000x64xf32, #tpu.memory_space<hbm>> -> memref<1x64xf32, #tpu.memory_space<hbm>>
      %dma_wait3A_626 = arith.constant 0 : i32
      %dma_wait3A_627 = tpu.memref_slice %arg10[%add3A_354, %dma_wait3A_626] : memref<128x64xf32, #tpu.memory_space<vmem>> -> memref<1x64xf32, #tpu.memory_space<vmem>>
      %dma_wait3A_628 = arith.constant 0 : i32
      %dma_wait3A_629 = tpu.memref_slice %arg4[%squeeze3A_356, %dma_wait3A_628] : memref<1000000x64xf32, #tpu.memory_space<hbm>> -> memref<1x64xf32, #tpu.memory_space<hbm>>
      tpu.wait_dma2 semaphore(%arg12 : memref<!tpu.dma_semaphore, #tpu.memory_space<semaphore_mem>>) src(%dma_wait3A_629 : memref<1x64xf32, #tpu.memory_space<hbm>>) dst(%dma_wait3A_627 : memref<1x64xf32, #tpu.memory_space<vmem>>)
      %dma_wait3A_630 = arith.constant 0 : i32
      %dma_wait3A_631 = tpu.memref_slice %arg11[%add3A_354, %dma_wait3A_630] : memref<128x64xf32, #tpu.memory_space<vmem>> -> memref<1x64xf32, #tpu.memory_space<vmem>>
      %dma_wait3A_632 = arith.constant 0 : i32
      %dma_wait3A_633 = tpu.memref_slice %arg5[%squeeze3A_366, %dma_wait3A_632] : memref<100000x64xf32, #tpu.memory_space<hbm>> -> memref<1x64xf32, #tpu.memory_space<hbm>>
      %dma_wait3A_634 = arith.constant 0 : i32
      %dma_wait3A_635 = tpu.memref_slice %arg11[%add3A_354, %dma_wait3A_634] : memref<128x64xf32, #tpu.memory_space<vmem>> -> memref<1x64xf32, #tpu.memory_space<vmem>>
      %dma_wait3A_636 = arith.constant 0 : i32
      %dma_wait3A_637 = tpu.memref_slice %arg5[%squeeze3A_366, %dma_wait3A_636] : memref<100000x64xf32, #tpu.memory_space<hbm>> -> memref<1x64xf32, #tpu.memory_space<hbm>>
      tpu.wait_dma2 semaphore(%arg13 : memref<!tpu.dma_semaphore, #tpu.memory_space<semaphore_mem>>) src(%dma_wait3A_637 : memref<1x64xf32, #tpu.memory_space<hbm>>) dst(%dma_wait3A_635 : memref<1x64xf32, #tpu.memory_space<vmem>>)
      %dma_wait3A_638 = arith.constant 0 : i32
      %dma_wait3A_639 = tpu.memref_slice %arg10[%add3A_378, %dma_wait3A_638] : memref<128x64xf32, #tpu.memory_space<vmem>> -> memref<1x64xf32, #tpu.memory_space<vmem>>
      %dma_wait3A_640 = arith.constant 0 : i32
      %dma_wait3A_641 = tpu.memref_slice %arg4[%squeeze3A_380, %dma_wait3A_640] : memref<1000000x64xf32, #tpu.memory_space<hbm>> -> memref<1x64xf32, #tpu.memory_space<hbm>>
      %dma_wait3A_642 = arith.constant 0 : i32
      %dma_wait3A_643 = tpu.memref_slice %arg10[%add3A_378, %dma_wait3A_642] : memref<128x64xf32, #tpu.memory_space<vmem>> -> memref<1x64xf32, #tpu.memory_space<vmem>>
      %dma_wait3A_644 = arith.constant 0 : i32
      %dma_wait3A_645 = tpu.memref_slice %arg4[%squeeze3A_380, %dma_wait3A_644] : memref<1000000x64xf32, #tpu.memory_space<hbm>> -> memref<1x64xf32, #tpu.memory_space<hbm>>
      tpu.wait_dma2 semaphore(%arg12 : memref<!tpu.dma_semaphore, #tpu.memory_space<semaphore_mem>>) src(%dma_wait3A_645 : memref<1x64xf32, #tpu.memory_space<hbm>>) dst(%dma_wait3A_643 : memref<1x64xf32, #tpu.memory_space<vmem>>)
      %dma_wait3A_646 = arith.constant 0 : i32
      %dma_wait3A_647 = tpu.memref_slice %arg11[%add3A_378, %dma_wait3A_646] : memref<128x64xf32, #tpu.memory_space<vmem>> -> memref<1x64xf32, #tpu.memory_space<vmem>>
      %dma_wait3A_648 = arith.constant 0 : i32
      %dma_wait3A_649 = tpu.memref_slice %arg5[%squeeze3A_390, %dma_wait3A_648] : memref<100000x64xf32, #tpu.memory_space<hbm>> -> memref<1x64xf32, #tpu.memory_space<hbm>>
      %dma_wait3A_650 = arith.constant 0 : i32
      %dma_wait3A_651 = tpu.memref_slice %arg11[%add3A_378, %dma_wait3A_650] : memref<128x64xf32, #tpu.memory_space<vmem>> -> memref<1x64xf32, #tpu.memory_space<vmem>>
      %dma_wait3A_652 = arith.constant 0 : i32
      %dma_wait3A_653 = tpu.memref_slice %arg5[%squeeze3A_390, %dma_wait3A_652] : memref<100000x64xf32, #tpu.memory_space<hbm>> -> memref<1x64xf32, #tpu.memory_space<hbm>>
      tpu.wait_dma2 semaphore(%arg13 : memref<!tpu.dma_semaphore, #tpu.memory_space<semaphore_mem>>) src(%dma_wait3A_653 : memref<1x64xf32, #tpu.memory_space<hbm>>) dst(%dma_wait3A_651 : memref<1x64xf32, #tpu.memory_space<vmem>>)
    }
    %scan3A_7 = arith.constant 8 : i32
    "tpu.region"() ({
      %run_scoped3A = tpu.sem_alloc : memref<!tpu.dma_semaphore, #tpu.memory_space<semaphore_mem>>
      %dma_start3A = arith.constant 0 : i32
      %dma_start3A_8 = tpu.memref_slice %arg6[%mul3A_2, %dma_start3A] : memref<4096x64xf32, #tpu.memory_space<hbm>> -> memref<128x64xf32, #tpu.memory_space<hbm>>
      %dma_start3A_9 = arith.constant 0 : i32
      %dma_start3A_10 = tpu.memref_slice %arg6[%mul3A_2, %dma_start3A_9] : memref<4096x64xf32, #tpu.memory_space<hbm>> -> memref<128x64xf32, #tpu.memory_space<hbm>>
      tpu.enqueue_dma source(%arg10 : memref<128x64xf32, #tpu.memory_space<vmem>>) target(%dma_start3A_10 : memref<128x64xf32, #tpu.memory_space<hbm>>) target_semaphore(%run_scoped3A : memref<!tpu.dma_semaphore, #tpu.memory_space<semaphore_mem>>)
      %dma_wait3A = arith.constant 0 : i32
      %dma_wait3A_11 = tpu.memref_slice %arg6[%mul3A_2, %dma_wait3A] : memref<4096x64xf32, #tpu.memory_space<hbm>> -> memref<128x64xf32, #tpu.memory_space<hbm>>
      %dma_wait3A_12 = arith.constant 0 : i32
      %dma_wait3A_13 = tpu.memref_slice %arg6[%mul3A_2, %dma_wait3A_12] : memref<4096x64xf32, #tpu.memory_space<hbm>> -> memref<128x64xf32, #tpu.memory_space<hbm>>
      tpu.wait_dma2 semaphore(%run_scoped3A : memref<!tpu.dma_semaphore, #tpu.memory_space<semaphore_mem>>) src(%arg10 : memref<128x64xf32, #tpu.memory_space<vmem>>) dst(%dma_wait3A_13 : memref<128x64xf32, #tpu.memory_space<hbm>>)
      tpu.yield
    }) : () -> ()
    "tpu.region"() ({
      %run_scoped3A = tpu.sem_alloc : memref<!tpu.dma_semaphore, #tpu.memory_space<semaphore_mem>>
      %dma_start3A = arith.constant 0 : i32
      %dma_start3A_8 = tpu.memref_slice %arg7[%mul3A_2, %dma_start3A] : memref<4096x64xf32, #tpu.memory_space<hbm>> -> memref<128x64xf32, #tpu.memory_space<hbm>>
      %dma_start3A_9 = arith.constant 0 : i32
      %dma_start3A_10 = tpu.memref_slice %arg7[%mul3A_2, %dma_start3A_9] : memref<4096x64xf32, #tpu.memory_space<hbm>> -> memref<128x64xf32, #tpu.memory_space<hbm>>
      tpu.enqueue_dma source(%arg11 : memref<128x64xf32, #tpu.memory_space<vmem>>) target(%dma_start3A_10 : memref<128x64xf32, #tpu.memory_space<hbm>>) target_semaphore(%run_scoped3A : memref<!tpu.dma_semaphore, #tpu.memory_space<semaphore_mem>>)
      %dma_wait3A = arith.constant 0 : i32
      %dma_wait3A_11 = tpu.memref_slice %arg7[%mul3A_2, %dma_wait3A] : memref<4096x64xf32, #tpu.memory_space<hbm>> -> memref<128x64xf32, #tpu.memory_space<hbm>>
      %dma_wait3A_12 = arith.constant 0 : i32
      %dma_wait3A_13 = tpu.memref_slice %arg7[%mul3A_2, %dma_wait3A_12] : memref<4096x64xf32, #tpu.memory_space<hbm>> -> memref<128x64xf32, #tpu.memory_space<hbm>>
      tpu.wait_dma2 semaphore(%run_scoped3A : memref<!tpu.dma_semaphore, #tpu.memory_space<semaphore_mem>>) src(%arg11 : memref<128x64xf32, #tpu.memory_space<vmem>>) dst(%dma_wait3A_13 : memref<128x64xf32, #tpu.memory_space<hbm>>)
      tpu.yield
    }) : () -> ()
    return
  }
}

module attributes {stable_mosaic.version = 14 : i64} {
  func.func @_tc_rowcol_body(%arg0: memref<4096x64xf32, #tpu.memory_space<vmem>>, %arg1: memref<4096x64xf32, #tpu.memory_space<vmem>>, %arg2: memref<4096x1xf32, #tpu.memory_space<vmem>>, %arg3: memref<4096x1xf32, #tpu.memory_space<vmem>>, %arg4: memref<1xf32, #tpu.memory_space<smem>>, %arg5: memref<1x4096xf32, #tpu.memory_space<vmem>>, %arg6: memref<4096x1xf32, #tpu.memory_space<vmem>>) attributes {dimension_semantics = [], scalar_prefetch = 0 : i64, scratch_operands = 0 : i64, tpu.core_type = #tpu.core_type<tc>} {
    %get3A = arith.constant 0 : index
    %get3A_0 = arith.constant 0 : index
    %get3A_1 = vector.load %arg0[%get3A, %get3A_0] : memref<4096x64xf32, #tpu.memory_space<vmem>>, vector<4096x64xf32>
    %get3A_2 = arith.constant 0 : index
    %get3A_3 = arith.constant 0 : index
    %get3A_4 = vector.load %arg1[%get3A_2, %get3A_3] : memref<4096x64xf32, #tpu.memory_space<vmem>>, vector<4096x64xf32>
    %mul3A = arith.mulf %get3A_1, %get3A_4 : vector<4096x64xf32>
    %reduce_sum3A = arith.constant dense<0.000000e+00> : vector<4096xf32>
    %reduce_sum3A_5 = vector.multi_reduction <add>, %mul3A, %reduce_sum3A [1] : vector<4096x64xf32> to vector<4096xf32>
    %broadcast_in_dim3A = vector.shape_cast %reduce_sum3A_5 : vector<4096xf32> to vector<1x4096xf32>
    %get3A_6 = arith.constant 0 : index
    %get3A_7 = memref.load %arg4[%get3A_6] : memref<1xf32, #tpu.memory_space<smem>>
    %add3A = vector.broadcast %get3A_7 : f32 to vector<1x4096xf32>
    %add3A_8 = arith.addf %broadcast_in_dim3A, %add3A : vector<1x4096xf32>
    %swap3A = arith.constant 0 : index
    %swap3A_9 = arith.constant 0 : index
    %swap3A_10 = vector.load %arg5[%swap3A, %swap3A_9] : memref<1x4096xf32, #tpu.memory_space<vmem>>, vector<1x4096xf32>
    tpu.vector_store %arg5[%swap3A, %swap3A_9], %add3A_8 {strides = array<i32>} : memref<1x4096xf32, #tpu.memory_space<vmem>>, vector<1x4096xf32>,
    %get3A_11 = arith.constant 0 : index
    %get3A_12 = arith.constant 0 : index
    %get3A_13 = vector.load %arg2[%get3A_11, %get3A_12] : memref<4096x1xf32, #tpu.memory_space<vmem>>, vector<4096x1xf32>
    %get3A_14 = arith.constant 0 : index
    %get3A_15 = arith.constant 0 : index
    %get3A_16 = vector.load %arg3[%get3A_14, %get3A_15] : memref<4096x1xf32, #tpu.memory_space<vmem>>, vector<4096x1xf32>
    %add3A_17 = arith.addf %get3A_13, %get3A_16 : vector<4096x1xf32>
    %swap3A_18 = arith.constant 0 : index
    %swap3A_19 = arith.constant 0 : index
    %swap3A_20 = vector.load %arg6[%swap3A_18, %swap3A_19] : memref<4096x1xf32, #tpu.memory_space<vmem>>, vector<4096x1xf32>
    tpu.vector_store %arg6[%swap3A_18, %swap3A_19], %add3A_17 {strides = array<i32>} : memref<4096x1xf32, #tpu.memory_space<vmem>>, vector<4096x1xf32>,
    return
  }
}

module attributes {stable_mosaic.version = 14 : i64} {
  func.func @_tc_bcast_body(%arg0: i32, %arg1: memref<512x1xf32, #tpu.memory_space<vmem>>, %arg2: memref<1x4096xf32, #tpu.memory_space<vmem>>, %arg3: memref<512x4096xf32, #tpu.memory_space<vmem>>) attributes {dimension_semantics = [#tpu.dimension_semantics<arbitrary>], iteration_bounds = array<i64: 8>, scalar_prefetch = 0 : i64, scratch_operands = 0 : i64, tpu.core_type = #tpu.core_type<tc>, window_params = [{transform_indices = @transform_0, window_bounds = array<i64: 512, 1>}, {pipeline_mode = #tpu.pipeline_mode<synchronous>, transform_indices = @transform_1, window_bounds = array<i64: 1, 4096>}, {transform_indices = @transform_2, window_bounds = array<i64: 512, 4096>}]} {
    %get3A = arith.constant 0 : index
    %get3A_0 = arith.constant 0 : index
    %get3A_1 = vector.load %arg1[%get3A, %get3A_0] : memref<512x1xf32, #tpu.memory_space<vmem>>, vector<512x1xf32>
    %get3A_2 = arith.constant 0 : index
    %get3A_3 = arith.constant 0 : index
    %get3A_4 = vector.load %arg2[%get3A_2, %get3A_3] : memref<1x4096xf32, #tpu.memory_space<vmem>>, vector<1x4096xf32>
    %add3A = vector.broadcast %get3A_1 : vector<512x1xf32> to vector<512x4096xf32>
    %add3A_5 = vector.broadcast %get3A_4 : vector<1x4096xf32> to vector<512x4096xf32>
    %add3A_6 = arith.addf %add3A, %add3A_5 : vector<512x4096xf32>
    %swap3A = arith.constant 0 : index
    %swap3A_7 = arith.constant 0 : index
    %swap3A_8 = vector.load %arg3[%swap3A, %swap3A_7] : memref<512x4096xf32, #tpu.memory_space<vmem>>, vector<512x4096xf32>
    tpu.vector_store %arg3[%swap3A, %swap3A_7], %add3A_6 {strides = array<i32>} : memref<512x4096xf32, #tpu.memory_space<vmem>>, vector<512x4096xf32>,
    return
  }
  func.func @transform_0(%arg0: i32) -> (i32, i32) {
    %c0_i32 = arith.constant 0 : i32
    %c0_i32_0 = arith.constant 0 : i32
    return %arg0, %c0_i32 : i32, i32
  }
  func.func @transform_1(%arg0: i32) -> (i32, i32) {
    %c0_i32 = arith.constant 0 : i32
    %c0_i32_0 = arith.constant 0 : i32
    %c0_i32_1 = arith.constant 0 : i32
    return %c0_i32, %c0_i32_0 : i32, i32
  }
  func.func @transform_2(%arg0: i32) -> (i32, i32) {
    %c0_i32 = arith.constant 0 : i32
    %c0_i32_0 = arith.constant 0 : i32
    return %arg0, %c0_i32 : i32, i32
  }
}

</mosaic_0001>

<sc_bundles>
// kernel: kernel.6.cloned.1.call-start
scs
__scs_entry_jumppad:
0x0: {  	(pc) =	sbr.rel $0x88, $3  }
0x1: {  	(tag) =	ssettag $0x0;
	lr =	simm.s32 $0x1  }
0x2: {  	[smem:$0x3F9A] =	sst lr;
	_ =	strace $0xD0000000  }
0x3: {  	_ = 	snop  }
0x4: {  	_ = 	snop  }
0x5: {  	_ = 	snop  }
0x6: {  	_ = 	snop  }
0x7: {  	_ = 	snop  }
__scs_overlays_trampoline_lowered:
0x8: {  	[smem:$0x3FA9] =	sst s0  }
0x9: {  	[smem:$0x3FAA] =	sst s1  }
0xa: {  	[smem:$0x3FAB] =	sst s2  }
0xb: {  	[smem:$0x3FAC] =	sst s3  }
0xc: {  	[smem:$0x3FAD] =	sst s4  }
0xd: {  	[smem:$0x3FAE] =	sst s5  }
0xe: {  	[smem:$0x3FAF] =	sst s6  }
0xf: {  	[smem:$0x3FB0] =	sst s7  }
0x10: {  	[smem:$0x3FB1] =	sst s8  }
0x11: {  	[smem:$0x3FB2] =	sst s9;
	s0 =	simm.s32 @!p0 $0x0  }
0x12: {  	s1 =	sld [smem:$0x3F98];
	s0 =	simm.s32 @p0 $0x1  }
0x13: {  	[smem:$0x3FB3] =	sst s0;
	s0 =	simm.s32 @!p1 $0x0  }
0x14: {  	s2 =	sld [smem:$0x3F97];
	s0 =	simm.s32 @p1 $0x1  }
0x15: {  	[smem:$0x3FB4] =	sst s0;
	s0 =	simm.s32 @!p2 $0x0  }
0x16: {  	s3 =	sld [smem:$0x3FDB];
	s0 =	simm.s32 @p2 $0x1  }
0x17: {  	s4 =	simm.s32 $0x1BF5;
	[smem:$0x3FB6] =	sst s0  }
0x18: {  	s0 =	sld [smem:$0x3F99];
	_ =	swait.ge [sflag:s4], $0x0  }
0x19: {  	s7 =	sld [smem:$0x3F9A]  }
0x1a: {  	s8 =	sadd.s32 $0xFFFFE003, lr  }
0x1b: {  	s9 =	sadd.s32 $0xFFFFFEF7, lr;
	s5 =	simm.s32 $0xFFFFFFFF;
	p2 =	slt.u32 s8, $0xFFFFF086  }
0x1c: {  	p1 =	slt.u32 s9, $0xF7A;
	s5 =	simm.s32 @!p2 $0x0  }
0x1d: {  	s5 =	simm.s32 @p1 $0x1;
	p0 =	seq.s32 s7, s2  }
0x1e: {  	s7 =	smul.u32 @!p0 $0xF7A, s2;
	p2 =	seq.s32 @!p0 s5, $0x0  }
0x1f: {  	s9 =	smul.u32 $0xF7A, s1;
	s8 =	simm.s32 @!p0 $0x1BF5;
	p2 =	por !p2, p0  }
0x20: {  	[sflag:s8] =	ssyncset.s32 @!p0 $0xFFFFF086;
	s6 =	sadd.s32 @!p0 s3, s7;
	s7 =	simm.s32 @!p0 $0x108  }
0x21: {  	s3 =	sadd.s32 s3, s9;
	s6 =	sadd.s32 @!p0 $0x88, s6;
	s7 =	simm.s32 @p2 $0x1082  }
0x22: {  	[simem:s7], [sflag:s8] =	dma.local @!p0 [hbm:s6], $0xF7A  }
0x23: {  	s9 =	sor.u32 $0xD0000000, s2;
	s6 =	simm.s32 $0x108;
	_ =	swait.ge @!p0 [sflag:s8], $0x0  }
0x24: {  	s3 =	sadd.s32 $0x88, s3;
	s6 =	simm.s32 @!p1 $0x1082;
	[sflag:s4] =	ssyncset.s32 $0xFFFFF086  }
0x25: {  	[simem:s6], [sflag:s4] =	dma.local [hbm:s3], $0xF7A  }
0x26: {  	[smem:$0x3F9A] =	sst s1;
	(tag) =	ssettag s2;
	_ =	strace s9  }
0x27: {  	s1 =	sld [smem:$0x3FAA]  }
0x28: {  	s2 =	sld [smem:$0x3FAB]  }
0x29: {  	s4 =	sld [smem:$0x3FAD]  }
0x2a: {  	p0 =	seq.s32 s5, $0x0;
	s5 =	sld [smem:$0x3FAE]  }
0x2b: {  	s6 =	sld [smem:$0x3FAF]  }
0x2c: {  	s7 =	sld [smem:$0x3FB0]  }
0x2d: {  	s3 =	simm.s32 $0x108;
	s8 =	sld [smem:$0x3FB1]  }
0x2e: {  	s3 =	simm.s32 @!p0 $0x1082;
	s9 =	sld [smem:$0x3FB2]  }
0x2f: {  	lr =	sadd.s32 s0, s3;
	s0 =	sld [smem:$0x3FA9]  }
0x30: {  	s3 =	sld [smem:$0x3FAC]  }
0x31: {  	[smem:$0x3FB5] =	sst s10  }
0x32: {  	s10 =	sld [smem:$0x3FB3];
	_ =	sdelay $0x3  }
0x33: {  	p0 =	seq.s32 s10, $0x1;
	s10 =	sld [smem:$0x3FB5];
	_ =	sdelay $0x3  }
0x34: {  	[smem:$0x3FB5] =	sst s10  }
0x35: {  	s10 =	sld [smem:$0x3FB4];
	_ =	sdelay $0x3  }
0x36: {  	p1 =	seq.s32 s10, $0x1;
	s10 =	sld [smem:$0x3FB5];
	_ =	sdelay $0x3  }
0x37: {  	[smem:$0x3FB5] =	sst s10  }
0x38: {  	s10 =	sld [smem:$0x3FB6]  }
0x39: {  	_ = 	snop;
	(pc) =	sbr.ind lr, $3  }
0x3a: {  	_ = 	snop  }
0x3b: {  	_ = 	snop  }
0x3c: {  	p2 =	seq.s32 s10, $0x1;
	s10 =	sld [smem:$0x3FB5]  }
0x3d: {  	_ =	shalt  }
0x3e: {  	_ =	shalt  }
0x3f: {  	_ =	shalt  }
0x40: {  	_ =	shalt  }
0x41: {  	_ =	shalt  }
0x42: {  	_ =	shalt  }
0x43: {  	_ =	shalt  }
0x44: {  	_ =	shalt  }
0x45: {  	_ =	shalt  }
0x46: {  	_ =	shalt  }
0x47: {  	_ =	shalt  }
0x48: {  	_ =	shalt  }
0x49: {  	_ =	shalt  }
0x4a: {  	_ =	shalt  }
0x4b: {  	_ =	shalt  }
0x4c: {  	_ =	shalt  }
0x4d: {  	_ =	shalt  }
0x4e: {  	_ =	shalt  }
0x4f: {  	_ =	shalt  }
0x50: {  	_ =	shalt  }
0x51: {  	_ =	shalt  }
0x52: {  	_ =	shalt  }
0x53: {  	_ =	shalt  }
0x54: {  	_ =	shalt  }
0x55: {  	_ =	shalt  }
0x56: {  	_ =	shalt  }
0x57: {  	_ =	shalt  }
0x58: {  	_ =	shalt  }
0x59: {  	_ =	shalt  }
0x5a: {  	_ =	shalt  }
0x5b: {  	_ =	shalt  }
0x5c: {  	_ =	shalt  }
0x5d: {  	_ =	shalt  }
0x5e: {  	_ =	shalt  }
0x5f: {  	_ =	shalt  }
0x60: {  	_ =	shalt  }
0x61: {  	_ =	shalt  }
0x62: {  	_ =	shalt  }
0x63: {  	_ =	shalt  }
0x64: {  	_ =	shalt  }
0x65: {  	_ =	shalt  }
0x66: {  	_ =	shalt  }
0x67: {  	_ =	shalt  }
0x68: {  	_ =	shalt  }
0x69: {  	_ =	shalt  }
0x6a: {  	_ =	shalt  }
0x6b: {  	_ =	shalt  }
0x6c: {  	_ =	shalt  }
0x6d: {  	_ =	shalt  }
0x6e: {  	_ =	shalt  }
0x6f: {  	_ =	shalt  }
0x70: {  	_ =	shalt  }
0x71: {  	_ =	shalt  }
0x72: {  	_ =	shalt  }
0x73: {  	_ =	shalt  }
0x74: {  	_ =	shalt  }
0x75: {  	_ =	shalt  }
0x76: {  	_ =	shalt  }
0x77: {  	_ =	shalt  }
0x78: {  	_ =	shalt  }
0x79: {  	_ =	shalt  }
0x7a: {  	_ =	shalt  }
0x7b: {  	_ =	shalt  }
0x7c: {  	_ =	shalt  }
0x7d: {  	_ =	shalt  }
0x7e: {  	_ =	shalt  }
0x7f: {  	_ =	shalt  }
0x80: {  	_ =	shalt  }
0x81: {  	_ =	shalt  }
0x82: {  	_ =	shalt  }
0x83: {  	_ =	shalt  }
0x84: {  	_ =	shalt  }
0x85: {  	_ =	shalt  }
0x86: {  	_ =	shalt  }
0x87: {  	_ =	shalt  }
.Lfunc_end0:
.L_simem_size_0:
called_computation_lowered:
.L_overlay_start_0:
0x88: {  	s2 =	sld [smem:$0x3FD9]  }
0x89: {  	s3 =	sld [smem:$0x3FFE];
	_ =	sdelay $0x1  }
0x8a: {  	s1 =	srdreg.scid  }
0x8b: {  	s0 =	sand.u32 $0x1, s1  }
0x8c: {  	s17 =	sshll.u32 s0, $0xA;
	s2 =	sadd.s32 s3, s2  }
0x8d: {  	s2 =	sadd.s32 s2, s17  }
0x8e: {  	[smem:$0x3FC1] =	sst s2  }
0x8f: {  	_ = 	snop  }
0x90: {  	s4 =	sld [smem:$0x3FC9]  }
0x91: {  	s5 =	sld [smem:$0x3FC8]  }
0x92: {  	s18 =	sld [smem:$0x3FD0];
	(tm) =	ssettm $0x1  }
0x93: {  	s19 =	sld [smem:$0x3FFB];
	_ =	sdelay $0x3  }
0x94: {  	_ =	strace s19  }
0x95: {  	s2 =	sld [smem:$0x3FFC];
	_ =	sdelay $0x3  }
0x96: {  	_ =	strace s2  }
0x97: {  	s2 =	sld [smem:$0x3FFD];
	_ =	sdelay $0x3  }
0x98: {  	_ =	strace s2  }
0x99: {  	_ =	strace $0x8FFFFFFF  }
0x9a: {  	s20 =	sld [smem:$0x3FDB];
	_ =	sdelay $0x1  }
0x9b: {  	s6 =	simm.s32 $_scs_section_size  }
0x9c: {  	s7 =	simm.s32 $_size__tile_overlayer_lowered;
	s8 =	simm.s32 $_tile_overlayer_lowered  }
0x9d: {  	s9 =	simm.s32 $0x1BFF;
	s21 =	sshll.u32 s8, $0x1;
	s6 =	sadd.s32 s6, s20  }
0x9e: {  	s22 =	simm.s32 $0x0;
	s7 =	sshll.u32 s7, $0x1;
	s8 =	sadd.s32 s21, s6  }
0x9f: {  	[timem:s22], [sflag:s9] =	dma.local [hbm:s8], s7  }
0xa0: {  	_ =	swait.ge [sflag:s9], s7  }
0xa1: {  	s7 =	ssub.s32 $0x0, s7;
	[sflag:s9] =	ssyncset.done $0x0  }
0xa2: {  	[sflag:s9] =	ssyncadd.s32 s7;
	_ =	sdelay $0x1  }
0xa3: {  	s23 =	simm.s32 $0x1B8B  }
0xa4: {  	_ =	swait.ge [sflag:s23], $0x1  }
0xa5: {  	[sflag:s23] =	ssyncset.done $0x0  }
0xa6: {  	[sflag:s23] =	ssyncadd.s32 $0xFFFFFFFF  }
0xa7: {  	s7 =	sld [smem:$0x0]  }
0xa8: {  	s8 =	sand.u32 $0xFFFFFFFE, s1  }
0xa9: {  	p0 =	sne.s32 s1, s8  }
0xaa: {  	s8 =	sshll.u32 @p0 s8, $0xE  }
0xab: {  	s8 =	sadd.s32 @p0 $0x11B8D, s8;
	s9 =	sshll.u32 @p0 s7, $0x11  }
0xac: {  	s8 =	sor.u32 @p0 s9, s8  }
0xad: {  	[sflag:s8] =	ssyncadd.remote.s32 @p0 $0x1;
	_ =	sdelay $0x1  }
0xae: {  	s8 =	simm.s32 @p0 $0x1B8D  }
0xaf: {  	_ =	swait.eq @p0 [sflag:s8], $0x1  }
0xb0: {  	[sflag:s8] =	ssyncadd.s32 @p0 $0xFFFFFFFF  }
0xb1: {  	s9 =	sshll.u32 @!p0 s1, $0xE  }
0xb2: {  	s9 =	sor.u32 @!p0 $0x4000, s9;
	s8 =	simm.s32 @!p0 $0x1B8D  }
0xb3: {  	s7 =	sshll.u32 @!p0 s7, $0x11;
	s9 =	sadd.s32 @!p0 $0x11B8D, s9;
	_ =	swait.eq @!p0 [sflag:s8], $0x1  }
0xb4: {  	s7 =	sor.u32 @!p0 s7, s9;
	[sflag:s8] =	ssyncadd.s32 @!p0 $0xFFFFFFFF  }
0xb5: {  	s25 =	simm.s32 $0x1B8E;
	s24 =	sld [smem:$0x3FFE];
	[sflag:s7] =	ssyncadd.remote.s32 @!p0 $0x1  }
0xb6: {  	s26 =	simm.s32 $execute0_lowered;
	[smem:$0x3FD2] =	sst s25  }
0xb7: {  	s8 =	sshll.u32 s26, $0x1;
	_ =	strace $0x80000049;
	[dreg:$0x1] =	wrdreg $0xFFFFFFFF  }
0xb8: {  	s28 =	simm.s32 $_size_execute0_lowered;
	s6 =	sadd.s32 s6, s8;
	[dreg:$0x0] =	wrdreg $0x0  }
0xb9: {  	s8 =	sshll.u32 s28, $0x1;
	[dreg:$0x2] =	wrdreg s6  }
0xba: {  	[dreg:$0x3] =	wrdreg s8  }
0xbb: {  	[dreg:$0x4] =	wrdreg $0xC0  }
0xbc: {  	_ =	task [dreg:s22], $0x5FFFF  }
0xbd: {  	[dreg:$0x1] =	wrdreg $0xFFFFFFFF  }
0xbe: {  	[dreg:$0x0] =	wrdreg $0x60  }
0xbf: {  	[dreg:$0x2] =	wrdreg s4  }
0xc0: {  	[dreg:$0x3] =	wrdreg s5  }
0xc1: {  	[dreg:$0x4] =	wrdreg s24  }
0xc2: {  	[dreg:$0x5] =	wrdreg s18  }
0xc3: {  	[dreg:$0x6] =	wrdreg $0x9  }
0xc4: {  	_ =	task.clear_ibuf [dreg:s22], $0x7FFFF;
	_ =	strace $0x90000049  }
0xc5: {  	s29 =	simm.s32 $0x9;
	_ =	strace $0x8000004B  }
0xc6: {  	_ =	swait.ge [sflag:s29], $0x1  }
0xc7: {  	[sflag:s29] =	ssyncadd.s32 $0xFFFFFFFF  }
0xc8: {  	_ =	strace $0x9000004B  }
0xc9: {  	_ =	sfence  }
0xca: {  	s30 =	sld [smem:$0x0];
	_ =	sdelay $0x2  }
0xcb: {  	s31 =	sshll.u32 s1, $0xD;
	s1 =	sshrl.u32 s1, $0x2  }
0xcc: {  	s4 =	sand.u32 $0x4000, s31;
	s1 =	sadd.s32 s1, s30  }
0xcd: {  	s0 =	sor.u32 s4, s0;
	s1 =	sshll.u32 s1, $0x11  }
0xce: {  	s0 =	sor.u32 s1, s0  }
0xcf: {  	s0 =	sadd.s32 $0x8F2B, s0  }
0xd0: {  	[sflag:s0] =	ssyncadd.remote.s32 $0x1  }
0xd1: {  	_ =	sfence.sel $0xFFFF  }
0xd2: {  	[dreg:$0x0] =	wrdreg $0xFFFFFFFF;
	(pc) =	sbr.abs _section_cstart, $3  }
0xd3: {  	[dreg:$0x1] =	wrdreg $0xFFFFFFFF  }
0xd4: {  	_ =	task.clear_ibuf [dreg:s22], $0x2FFFF;
	_ =	strace $0x9FFFFFFF  }
0xd5: {  	(tm) =	ssettm $0x7FFFFFFF  }
tec
execute0_lowered:
.L_overlay_start_1:
0x0: {  	(tag) =	ssettag $0x1  }
0x1: {  	s0 =	rddreg [dreg:$0x0]  }
0x2: {  	s1 =	rddreg [dreg:$0x1]  }
0x3: {  	s5 =	rddreg [dreg:$0x2];
	s4 =	srdreg.scid  }
0x4: {  	s28 =	rddreg [dreg:$0x3];
	s2 =	stileid.u32;
	s6 =	sand.u32 $0x1, s4  }
0x5: {  	s3 =	simm.s32 $0x0;
	s24 =	sshll.u32 s2, $0x8;
	s7 =	sshll.u32 s6, $0x7  }
0x6: {  	[smem:$0x7FF] =	sst s3;
	s4 =	sadd.s32 $0x22E00, s5;
	s7 =	sor.u32 s7, s24  }
0x7: {  	s6 =	ssub.s32 $0x2, s6;
	s8 =	sshll.u32 s7, $0x4;
	s7 =	sshrl.u32 s7, $0x3  }
0x8: {  	_ =	strace $0x8000004A;
	s25 =	sshrl.u32 s6, $0x1;
	s0 =	sadd.s32 s0, s7  }
0x9: {  	s6 =	ssub.s32 s6, s25;
	s26 =	sadd.s32 s1, s7;
	[dreg:$0x10] =	wrdreg s0  }
0xa: {  	s5 =	sadd.s32 s8, s5;
	s31 =	smax.u32 s6, $0x1;
	[dreg:$0x11] =	wrdreg s26  }
0xb: {  	s11 =	simm.s32 $0x1;
	s29 =	sadd.s32 $0xF65200, s5;
	[dreg:$0x14] =	wrdreg s31  }
0xc: {  	s12 =	simm.s32 $0x2;
	s30 =	sadd.s32 $0xF75200, s5;
	[dreg:$0x12] =	wrdreg s29  }
0xd: {  	s2 =	simm.s32 $0x0;
	s1 =	simm.s32 $0x3;
	[dreg:$0x13] =	wrdreg s30  }
.LBB2_1:
0xe: {  	[dreg:$0x15] =	wrdreg s2  }
0xf: {  	s0 =	rddreg [dreg:$0x10]  }
0x10: {  	[tilespmem:s3], [sflag:$0x3] =	stream.linear.gather [hbm4b:s0+s3], $0x80, $0x38;
	[tilespmem:$0x8100] =	vst v63  }
0x11: {  	_ =	swait.ge [sflag:s1], $0x80  }
0x12: {  	[sflag:s1] =	ssyncset.done $0x0  }
0x13: {  	s2 =	simm.s32 $0x80;
	s13 =	rddreg [dreg:$0x11];
	[sflag:s1] =	ssyncadd.s32 $0xFFFFFF80  }
0x14: {  	[tilespmem:s2], [sflag:$0x3] =	stream.linear.gather [hbm4b:s13+s3], $0x80, $0x38;
	[tilespmem:$0x8100] =	vst v63  }
0x15: {  	_ =	swait.ge [sflag:s1], $0x80  }
0x16: {  	[sflag:s1] =	ssyncset.done $0x0  }
0x17: {  	[sflag:s1] =	ssyncadd.s32 $0xFFFFFF80  }
0x18: {  	v0 =	vld [tilespmem:s3+$0x0];
	_ =	sdelay $0x1  }
0x19: {  	v2 =	vld [tilespmem:s2+$0x0];
	_ =	sdelay $0x2  }
0x1a: {  	v1 =	vshll.u32 v0, $0x4  }
0x1b: {  	(v2sf) =	vpush v1, $0x0  }
0x1c: {  	v63 =	vshll.u32 v2, $0x4  }
0x1d: {  	(v2sf) =	vpush v63, $0x0;
	_ =	sdelay $0x1  }
0x1e: {  	(v2sf) =	vpush v1, $0x1;
	_ =	sdelay $0x2  }
0x1f: {  	(v2sf) =	vpush v63, $0x1;
	_ =	sdelay $0x7  }
0x20: {  	s14 =	spop (v2sf);
	(v2sf) =	vpush v1, $0x2;
	_ =	sdelay $0x1  }
0x21: {  	s16 =	spop (v2sf);
	(v2sf) =	vpush v63, $0x2;
	_ =	sdelay $0x1  }
0x22: {  	s18 =	spop (v2sf);
	(v2sf) =	vpush v1, $0x3;
	_ =	sdelay $0x2  }
0x23: {  	s20 =	spop (v2sf);
	(v2sf) =	vpush v63, $0x3;
	_ =	sdelay $0x4  }
0x24: {  	s0 =	sand.u32 $0x1FFFFFF0, s14  }
0x25: {  	s15 =	simm.s32 $0x100;
	s0 =	sadd.s32 s4, s0  }
0x26: {  	[tilespmem:s15], [sflag:$0x1] =	stream.linear.gather [hbm4b:s0+s3], $0x80, $0x38;
	[tilespmem:$0x8100] =	vst v63  }
0x27: {  	s22 =	spop (v2sf);
	(v2sf) =	vpush v1, $0x4  }
0x28: {  	s0 =	sand.u32 $0x1FFFFFF0, s16  }
0x29: {  	s17 =	simm.s32 $0x4100;
	s0 =	sadd.s32 s28, s0;
	s24 =	spop (v2sf);
	(v2sf) =	vpush v63, $0x4  }
0x2a: {  	[tilespmem:s17], [sflag:$0x2] =	stream.linear.gather [hbm4b:s0+s3], $0x80, $0x38;
	[tilespmem:$0x8100] =	vst v63  }
0x2b: {  	s0 =	sand.u32 $0x1FFFFFF0, s18;
	s26 =	spop (v2sf);
	(v2sf) =	vpush v1, $0x5  }
0x2c: {  	s19 =	simm.s32 $0x180;
	s0 =	sadd.s32 s4, s0  }
0x2d: {  	[tilespmem:s19], [sflag:$0x1] =	stream.linear.gather [hbm4b:s0+s3], $0x80, $0x38;
	[tilespmem:$0x8100] =	vst v63  }
0x2e: {  	s30 =	spop (v2sf);
	(v2sf) =	vpush v63, $0x5  }
0x2f: {  	s0 =	sand.u32 $0x1FFFFFF0, s20  }
0x30: {  	s21 =	simm.s32 $0x4180;
	s0 =	sadd.s32 s28, s0  }
0x31: {  	[tilespmem:s21], [sflag:$0x2] =	stream.linear.gather [hbm4b:s0+s3], $0x80, $0x38;
	[tilespmem:$0x8100] =	vst v63  }
0x32: {  	s0 =	sand.u32 $0x1FFFFFF0, s22  }
0x33: {  	s23 =	simm.s32 $0x200;
	s0 =	sadd.s32 s4, s0  }
0x34: {  	[tilespmem:s23], [sflag:$0x1] =	stream.linear.gather [hbm4b:s0+s3], $0x80, $0x38;
	[tilespmem:$0x8100] =	vst v63  }
0x35: {  	s0 =	sand.u32 $0x1FFFFFF0, s24  }
0x36: {  	s25 =	simm.s32 $0x4200;
	s0 =	sadd.s32 s28, s0;
	s1 =	spop (v2sf);
	(v2sf) =	vpush v1, $0x6  }
0x37: {  	[tilespmem:s25], [sflag:$0x2] =	stream.linear.gather [hbm4b:s0+s3], $0x80, $0x38;
	[tilespmem:$0x8100] =	vst v63  }
0x38: {  	s6 =	spop (v2sf);
	(v2sf) =	vpush v63, $0x6  }
0x39: {  	s0 =	sand.u32 $0x1FFFFFF0, s26  }
0x3a: {  	s29 =	simm.s32 $0x280;
	s0 =	sadd.s32 s4, s0;
	s8 =	spop (v2sf);
	(v2sf) =	vpush v1, $0x7  }
0x3b: {  	[tilespmem:s29], [sflag:$0x1] =	stream.linear.gather [hbm4b:s0+s3], $0x80, $0x38;
	[tilespmem:$0x8100] =	vst v63  }
0x3c: {  	s0 =	sand.u32 $0x1FFFFFF0, s30  }
0x3d: {  	s31 =	simm.s32 $0x4280;
	s0 =	sadd.s32 s28, s0;
	s10 =	spop (v2sf);
	(v2sf) =	vpush v63, $0x7  }
0x3e: {  	[tilespmem:s31], [sflag:$0x2] =	stream.linear.gather [hbm4b:s0+s3], $0x80, $0x38;
	[tilespmem:$0x8100] =	vst v63  }
0x3f: {  	s0 =	sand.u32 $0x1FFFFFF0, s1  }
0x40: {  	s5 =	simm.s32 $0x300;
	s0 =	sadd.s32 s4, s0  }
0x41: {  	[tilespmem:s5], [sflag:$0x1] =	stream.linear.gather [hbm4b:s0+s3], $0x80, $0x38;
	[tilespmem:$0x8100] =	vst v63  }
0x42: {  	s0 =	sand.u32 $0x1FFFFFF0, s6  }
0x43: {  	s7 =	simm.s32 $0x4300;
	s0 =	sadd.s32 s28, s0  }
0x44: {  	[tilespmem:s7], [sflag:$0x2] =	stream.linear.gather [hbm4b:s0+s3], $0x80, $0x38;
	[tilespmem:$0x8100] =	vst v63  }
0x45: {  	s14 =	spop (v2sf);
	(v2sf) =	vpush v1, $0x8  }
0x46: {  	s0 =	sand.u32 $0x1FFFFFF0, s8  }
0x47: {  	s9 =	simm.s32 $0x380;
	s0 =	sadd.s32 s4, s0;
	s16 =	spop (v2sf);
	(v2sf) =	vpush v63, $0x8  }
0x48: {  	[tilespmem:s9], [sflag:$0x1] =	stream.linear.gather [hbm4b:s0+s3], $0x80, $0x38;
	[tilespmem:$0x8100] =	vst v63  }
0x49: {  	s0 =	sand.u32 $0x1FFFFFF0, s10;
	s18 =	spop (v2sf);
	(v2sf) =	vpush v1, $0x9  }
0x4a: {  	s13 =	simm.s32 $0x4380;
	s0 =	sadd.s32 s28, s0  }
0x4b: {  	[tilespmem:s13], [sflag:$0x2] =	stream.linear.gather [hbm4b:s0+s3], $0x80, $0x38;
	[tilespmem:$0x8100] =	vst v63  }
0x4c: {  	s20 =	spop (v2sf);
	(v2sf) =	vpush v63, $0x9  }
0x4d: {  	s0 =	sand.u32 $0x1FFFFFF0, s14  }
0x4e: {  	s15 =	simm.s32 $0x400;
	s0 =	sadd.s32 s4, s0  }
0x4f: {  	[tilespmem:s15], [sflag:$0x1] =	stream.linear.gather [hbm4b:s0+s3], $0x80, $0x38;
	[tilespmem:$0x8100] =	vst v63  }
0x50: {  	s0 =	sand.u32 $0x1FFFFFF0, s16  }
0x51: {  	s17 =	simm.s32 $0x4400;
	s0 =	sadd.s32 s28, s0  }
0x52: {  	[tilespmem:s17], [sflag:$0x2] =	stream.linear.gather [hbm4b:s0+s3], $0x80, $0x38;
	[tilespmem:$0x8100] =	vst v63  }
0x53: {  	s0 =	sand.u32 $0x1FFFFFF0, s18  }
0x54: {  	s19 =	simm.s32 $0x480;
	s0 =	sadd.s32 s4, s0;
	s22 =	spop (v2sf);
	(v2sf) =	vpush v1, $0xA  }
0x55: {  	[tilespmem:s19], [sflag:$0x1] =	stream.linear.gather [hbm4b:s0+s3], $0x80, $0x38;
	[tilespmem:$0x8100] =	vst v63  }
0x56: {  	s24 =	spop (v2sf);
	(v2sf) =	vpush v63, $0xA  }
0x57: {  	s0 =	sand.u32 $0x1FFFFFF0, s20  }
0x58: {  	s21 =	simm.s32 $0x4480;
	s0 =	sadd.s32 s28, s0;
	s26 =	spop (v2sf);
	(v2sf) =	vpush v1, $0xB  }
0x59: {  	[tilespmem:s21], [sflag:$0x2] =	stream.linear.gather [hbm4b:s0+s3], $0x80, $0x38;
	[tilespmem:$0x8100] =	vst v63  }
0x5a: {  	s0 =	sand.u32 $0x1FFFFFF0, s22  }
0x5b: {  	s23 =	simm.s32 $0x500;
	s0 =	sadd.s32 s4, s0;
	s30 =	spop (v2sf);
	(v2sf) =	vpush v63, $0xB  }
0x5c: {  	[tilespmem:s23], [sflag:$0x1] =	stream.linear.gather [hbm4b:s0+s3], $0x80, $0x38;
	[tilespmem:$0x8100] =	vst v63  }
0x5d: {  	s0 =	sand.u32 $0x1FFFFFF0, s24  }
0x5e: {  	s25 =	simm.s32 $0x4500;
	s0 =	sadd.s32 s28, s0  }
0x5f: {  	[tilespmem:s25], [sflag:$0x2] =	stream.linear.gather [hbm4b:s0+s3], $0x80, $0x38;
	[tilespmem:$0x8100] =	vst v63  }
0x60: {  	s0 =	sand.u32 $0x1FFFFFF0, s26  }
0x61: {  	s29 =	simm.s32 $0x580;
	s0 =	sadd.s32 s4, s0  }
0x62: {  	[tilespmem:s29], [sflag:$0x1] =	stream.linear.gather [hbm4b:s0+s3], $0x80, $0x38;
	[tilespmem:$0x8100] =	vst v63  }
0x63: {  	s1 =	spop (v2sf);
	(v2sf) =	vpush v1, $0xC  }
0x64: {  	s0 =	sand.u32 $0x1FFFFFF0, s30  }
0x65: {  	s31 =	simm.s32 $0x4580;
	s0 =	sadd.s32 s28, s0;
	s6 =	spop (v2sf);
	(v2sf) =	vpush v63, $0xC  }
0x66: {  	[tilespmem:s31], [sflag:$0x2] =	stream.linear.gather [hbm4b:s0+s3], $0x80, $0x38;
	[tilespmem:$0x8100] =	vst v63  }
0x67: {  	s0 =	sand.u32 $0x1FFFFFF0, s1;
	s8 =	spop (v2sf);
	(v2sf) =	vpush v1, $0xD  }
0x68: {  	s5 =	simm.s32 $0x600;
	s0 =	sadd.s32 s4, s0  }
0x69: {  	[tilespmem:s5], [sflag:$0x1] =	stream.linear.gather [hbm4b:s0+s3], $0x80, $0x38;
	[tilespmem:$0x8100] =	vst v63  }
0x6a: {  	s10 =	spop (v2sf);
	(v2sf) =	vpush v63, $0xD  }
0x6b: {  	s0 =	sand.u32 $0x1FFFFFF0, s6  }
0x6c: {  	s7 =	simm.s32 $0x4600;
	s0 =	sadd.s32 s28, s0  }
0x6d: {  	[tilespmem:s7], [sflag:$0x2] =	stream.linear.gather [hbm4b:s0+s3], $0x80, $0x38;
	[tilespmem:$0x8100] =	vst v63  }
0x6e: {  	s0 =	sand.u32 $0x1FFFFFF0, s8  }
0x6f: {  	s9 =	simm.s32 $0x680;
	s0 =	sadd.s32 s4, s0  }
0x70: {  	[tilespmem:s9], [sflag:$0x1] =	stream.linear.gather [hbm4b:s0+s3], $0x80, $0x38;
	[tilespmem:$0x8100] =	vst v63  }
0x71: {  	s0 =	sand.u32 $0x1FFFFFF0, s10  }
0x72: {  	s13 =	simm.s32 $0x4680;
	s0 =	sadd.s32 s28, s0;
	s14 =	spop (v2sf);
	(v2sf) =	vpush v1, $0xE  }
0x73: {  	[tilespmem:s13], [sflag:$0x2] =	stream.linear.gather [hbm4b:s0+s3], $0x80, $0x38;
	[tilespmem:$0x8100] =	vst v63  }
0x74: {  	s16 =	spop (v2sf);
	(v2sf) =	vpush v63, $0xE  }
0x75: {  	s0 =	sand.u32 $0x1FFFFFF0, s14  }
0x76: {  	s15 =	simm.s32 $0x700;
	s0 =	sadd.s32 s4, s0;
	s18 =	spop (v2sf)  }
0x77: {  	(v2sf) =	vpush v1, $0xF;
	[tilespmem:s15], [sflag:$0x1] =	stream.linear.gather [hbm4b:s0+s3], $0x80, $0x38;
	[tilespmem:$0x8100] =	vst v63  }
0x78: {  	s0 =	sand.u32 $0x1FFFFFF0, s16  }
0x79: {  	s17 =	simm.s32 $0x4700;
	s20 =	spop (v2sf);
	s0 =	sadd.s32 s28, s0  }
0x7a: {  	(v2sf) =	vpush v63, $0xF;
	[tilespmem:s17], [sflag:$0x2] =	stream.linear.gather [hbm4b:s0+s3], $0x80, $0x38;
	[tilespmem:$0x8100] =	vst v63  }
0x7b: {  	s0 =	sand.u32 $0x1FFFFFF0, s18  }
0x7c: {  	s19 =	simm.s32 $0x780;
	s0 =	sadd.s32 s4, s0  }
0x7d: {  	[tilespmem:s19], [sflag:$0x1] =	stream.linear.gather [hbm4b:s0+s3], $0x80, $0x38;
	[tilespmem:$0x8100] =	vst v63  }
0x7e: {  	s0 =	sand.u32 $0x1FFFFFF0, s20  }
0x7f: {  	s21 =	simm.s32 $0x4780;
	s0 =	sadd.s32 s28, s0  }
0x80: {  	[tilespmem:s21], [sflag:$0x2] =	stream.linear.gather [hbm4b:s0+s3], $0x80, $0x38;
	[tilespmem:$0x8100] =	vst v63  }
0x81: {  	s22 =	spop (v2sf)  }
0x82: {  	s0 =	sand.u32 $0x1FFFFFF0, s22  }
0x83: {  	s23 =	simm.s32 $0x800;
	s24 =	spop (v2sf);
	s0 =	sadd.s32 s4, s0  }
0x84: {  	[tilespmem:s23], [sflag:$0x1] =	stream.linear.gather [hbm4b:s0+s3], $0x80, $0x38;
	[tilespmem:$0x8100] =	vst v63  }
0x85: {  	s0 =	sand.u32 $0x1FFFFFF0, s24  }
0x86: {  	s25 =	simm.s32 $0x4800;
	s26 =	spop (v2sf);
	s0 =	sadd.s32 s28, s0  }
0x87: {  	[tilespmem:s25], [sflag:$0x2] =	stream.linear.gather [hbm4b:s0+s3], $0x80, $0x38;
	[tilespmem:$0x8100] =	vst v63  }
0x88: {  	s0 =	sand.u32 $0x1FFFFFF0, s26  }
0x89: {  	s29 =	simm.s32 $0x880;
	s30 =	spop (v2sf);
	s0 =	sadd.s32 s4, s0  }
0x8a: {  	[tilespmem:s29], [sflag:$0x1] =	stream.linear.gather [hbm4b:s0+s3], $0x80, $0x38;
	[tilespmem:$0x8100] =	vst v63  }
0x8b: {  	s0 =	sand.u32 $0x1FFFFFF0, s30  }
0x8c: {  	s31 =	simm.s32 $0x4880;
	s0 =	sadd.s32 s28, s0  }
0x8d: {  	[tilespmem:s31], [sflag:$0x2] =	stream.linear.gather [hbm4b:s0+s3], $0x80, $0x38;
	[tilespmem:$0x8100] =	vst v63  }
0x8e: {  	_ =	swait.ge [sflag:s11], $0x80  }
0x8f: {  	[sflag:s11] =	ssyncset.done $0x0  }
0x90: {  	[sflag:s11] =	ssyncadd.s32 $0xFFFFFF80  }
0x91: {  	_ =	swait.ge [sflag:s12], $0x80  }
0x92: {  	[sflag:s12] =	ssyncset.done $0x0  }
0x93: {  	[sflag:s12] =	ssyncadd.s32 $0xFFFFFF80  }
0x94: {  	_ =	swait.ge [sflag:s11], $0x80  }
0x95: {  	[sflag:s11] =	ssyncset.done $0x0  }
0x96: {  	[sflag:s11] =	ssyncadd.s32 $0xFFFFFF80  }
0x97: {  	_ =	swait.ge [sflag:s12], $0x80  }
0x98: {  	[sflag:s12] =	ssyncset.done $0x0  }
0x99: {  	[sflag:s12] =	ssyncadd.s32 $0xFFFFFF80  }
0x9a: {  	_ =	swait.ge [sflag:s11], $0x80  }
0x9b: {  	[sflag:s11] =	ssyncset.done $0x0  }
0x9c: {  	[sflag:s11] =	ssyncadd.s32 $0xFFFFFF80  }
0x9d: {  	_ =	swait.ge [sflag:s12], $0x80  }
0x9e: {  	[sflag:s12] =	ssyncset.done $0x0  }
0x9f: {  	[sflag:s12] =	ssyncadd.s32 $0xFFFFFF80  }
0xa0: {  	_ =	swait.ge [sflag:s11], $0x80  }
0xa1: {  	[sflag:s11] =	ssyncset.done $0x0  }
0xa2: {  	[sflag:s11] =	ssyncadd.s32 $0xFFFFFF80  }
0xa3: {  	_ =	swait.ge [sflag:s12], $0x80  }
0xa4: {  	[sflag:s12] =	ssyncset.done $0x0  }
0xa5: {  	[sflag:s12] =	ssyncadd.s32 $0xFFFFFF80  }
0xa6: {  	_ =	swait.ge [sflag:s11], $0x80  }
0xa7: {  	[sflag:s11] =	ssyncset.done $0x0  }
0xa8: {  	[sflag:s11] =	ssyncadd.s32 $0xFFFFFF80  }
0xa9: {  	_ =	swait.ge [sflag:s12], $0x80  }
0xaa: {  	[sflag:s12] =	ssyncset.done $0x0  }
0xab: {  	[sflag:s12] =	ssyncadd.s32 $0xFFFFFF80  }
0xac: {  	_ =	swait.ge [sflag:s11], $0x80  }
0xad: {  	[sflag:s11] =	ssyncset.done $0x0  }
0xae: {  	[sflag:s11] =	ssyncadd.s32 $0xFFFFFF80  }
0xaf: {  	_ =	swait.ge [sflag:s12], $0x80  }
0xb0: {  	[sflag:s12] =	ssyncset.done $0x0  }
0xb1: {  	[sflag:s12] =	ssyncadd.s32 $0xFFFFFF80  }
0xb2: {  	_ =	swait.ge [sflag:s11], $0x80  }
0xb3: {  	[sflag:s11] =	ssyncset.done $0x0  }
0xb4: {  	[sflag:s11] =	ssyncadd.s32 $0xFFFFFF80  }
0xb5: {  	_ =	swait.ge [sflag:s12], $0x80  }
0xb6: {  	[sflag:s12] =	ssyncset.done $0x0  }
0xb7: {  	[sflag:s12] =	ssyncadd.s32 $0xFFFFFF80  }
0xb8: {  	_ =	swait.ge [sflag:s11], $0x80  }
0xb9: {  	[sflag:s11] =	ssyncset.done $0x0  }
0xba: {  	[sflag:s11] =	ssyncadd.s32 $0xFFFFFF80  }
0xbb: {  	_ =	swait.ge [sflag:s12], $0x80  }
0xbc: {  	[sflag:s12] =	ssyncset.done $0x0  }
0xbd: {  	[sflag:s12] =	ssyncadd.s32 $0xFFFFFF80  }
0xbe: {  	_ =	swait.ge [sflag:s11], $0x80  }
0xbf: {  	[sflag:s11] =	ssyncset.done $0x0  }
0xc0: {  	[sflag:s11] =	ssyncadd.s32 $0xFFFFFF80  }
0xc1: {  	_ =	swait.ge [sflag:s12], $0x80  }
0xc2: {  	[sflag:s12] =	ssyncset.done $0x0  }
0xc3: {  	[sflag:s12] =	ssyncadd.s32 $0xFFFFFF80  }
0xc4: {  	_ =	swait.ge [sflag:s11], $0x80  }
0xc5: {  	[sflag:s11] =	ssyncset.done $0x0  }
0xc6: {  	[sflag:s11] =	ssyncadd.s32 $0xFFFFFF80  }
0xc7: {  	_ =	swait.ge [sflag:s12], $0x80  }
0xc8: {  	[sflag:s12] =	ssyncset.done $0x0  }
0xc9: {  	[sflag:s12] =	ssyncadd.s32 $0xFFFFFF80  }
0xca: {  	_ =	swait.ge [sflag:s11], $0x80  }
0xcb: {  	[sflag:s11] =	ssyncset.done $0x0  }
0xcc: {  	[sflag:s11] =	ssyncadd.s32 $0xFFFFFF80  }
0xcd: {  	_ =	swait.ge [sflag:s12], $0x80  }
0xce: {  	[sflag:s12] =	ssyncset.done $0x0  }
0xcf: {  	[sflag:s12] =	ssyncadd.s32 $0xFFFFFF80  }
0xd0: {  	_ =	swait.ge [sflag:s11], $0x80  }
0xd1: {  	[sflag:s11] =	ssyncset.done $0x0  }
0xd2: {  	[sflag:s11] =	ssyncadd.s32 $0xFFFFFF80  }
0xd3: {  	_ =	swait.ge [sflag:s12], $0x80  }
0xd4: {  	[sflag:s12] =	ssyncset.done $0x0  }
0xd5: {  	[sflag:s12] =	ssyncadd.s32 $0xFFFFFF80  }
0xd6: {  	_ =	swait.ge [sflag:s11], $0x80  }
0xd7: {  	[sflag:s11] =	ssyncset.done $0x0  }
0xd8: {  	[sflag:s11] =	ssyncadd.s32 $0xFFFFFF80  }
0xd9: {  	_ =	swait.ge [sflag:s12], $0x80  }
0xda: {  	[sflag:s12] =	ssyncset.done $0x0  }
0xdb: {  	[sflag:s12] =	ssyncadd.s32 $0xFFFFFF80  }
0xdc: {  	_ =	swait.ge [sflag:s11], $0x80  }
0xdd: {  	s17 =	simm.s32 $0x2000;
	s18 =	simm.s32 $0x0;
	[sflag:s11] =	ssyncset.done $0x0  }
.LBB2_2:
0xde: {  	s2 =	sadd.s32 $0x10, s2  }
0xdf: {  	[sflag:s11] =	ssyncadd.s32 $0xFFFFFF80;
	[dreg:$0x5] =	wrdreg s2  }
0xe0: {  	_ =	swait.ge [sflag:s12], $0x80  }
0xe1: {  	[sflag:s12] =	ssyncset.done $0x0  }
0xe2: {  	[sflag:s12] =	ssyncadd.s32 $0xFFFFFF80  }
0xe3: {  	_ =	swait.ge [sflag:s11], $0x80  }
0xe4: {  	[sflag:s11] =	ssyncset.done $0x0  }
0xe5: {  	[sflag:s11] =	ssyncadd.s32 $0xFFFFFF80  }
0xe6: {  	_ =	swait.ge [sflag:s12], $0x80  }
0xe7: {  	[sflag:s12] =	ssyncset.done $0x0  }
0xe8: {  	[sflag:s12] =	ssyncadd.s32 $0xFFFFFF80  }
0xe9: {  	_ =	swait.ge [sflag:s11], $0x80  }
0xea: {  	[sflag:s11] =	ssyncset.done $0x0  }
0xeb: {  	[sflag:s11] =	ssyncadd.s32 $0xFFFFFF80  }
0xec: {  	_ =	swait.ge [sflag:s12], $0x80  }
0xed: {  	[sflag:s12] =	ssyncset.done $0x0  }
0xee: {  	s18 =	sadd.s32 $0x10, s18;
	[sflag:s12] =	ssyncadd.s32 $0xFFFFFF80  }
0xef: {  	v0 =	vld [tilespmem:s18+$0x0]  }
0xf0: {  	v2 =	vld [tilespmem:s2+$0x0];
	_ =	sdelay $0x3  }
0xf1: {  	v1 =	vshll.u32 v0, $0x4  }
0xf2: {  	v63 =	vshll.u32 v2, $0x4;
	(v2sf) =	vpush v1, $0x0  }
0xf3: {  	s0 =	smov.u32 s17;
	(v2sf) =	vpush v63, $0x0  }
0xf4: {  	s19 =	sshra.s32 s0, $0x2;
	(v2sf) =	vpush v1, $0x1  }
0xf5: {  	s23 =	sadd.s32 $0x4100, s19;
	s14 =	sadd.s32 $0x380, s19  }
0xf6: {  	s0 =	sadd.s32 $0x580, s19;
	s10 =	sadd.s32 $0x300, s19;
	s22 =	sadd.s32 $0x4600, s19;
	(v2sf) =	vpush v63, $0x1  }
0xf7: {  	s20 =	sadd.s32 $0x280, s19;
	s16 =	sadd.s32 $0x4280, s19;
	s24 =	sadd.s32 $0x4680, s19  }
0xf8: {  	s15 =	sadd.s32 $0x4300, s19;
	s25 =	sadd.s32 $0x4700, s19;
	[dreg:$0xe] =	wrdreg s0;
	(v2sf) =	vpush v1, $0x2  }
0xf9: {  	s21 =	sadd.s32 $0x4200, s19;
	s9 =	sadd.s32 $0x4380, s19;
	[dreg:$0xb] =	wrdreg s22  }
0xfa: {  	s8 =	sadd.s32 $0x400, s19;
	s26 =	sadd.s32 $0x680, s19;
	[dreg:$0x9] =	wrdreg s24;
	(v2sf) =	vpush v63, $0x2  }
0xfb: {  	s29 =	sadd.s32 $0x4780, s19;
	s7 =	sadd.s32 $0x4400, s19;
	[dreg:$0x7] =	wrdreg s25  }
0xfc: {  	s31 =	sadd.s32 $0x4580, s19;
	s30 =	sadd.s32 $0x600, s19;
	[dreg:$0xd] =	wrdreg s26;
	(v2sf) =	vpush v1, $0x3  }
0xfd: {  	s6 =	sadd.s32 $0x480, s19;
	s5 =	sadd.s32 $0x4480, s19;
	[dreg:$0x6] =	wrdreg s29  }
0xfe: {  	s13 =	sadd.s32 $0x500, s19;
	s1 =	sadd.s32 $0x4800, s19;
	[dreg:$0xf] =	wrdreg s30;
	(v2sf) =	vpush v63, $0x3  }
0xff: {  	s22 =	sadd.s32 $0x200, s19;
	[dreg:$0x8] =	wrdreg s1;
	s26 =	sadd.s32 $0x780, s19  }
0x100: {  	s24 =	sadd.s32 $0x4180, s19;
	s30 =	sadd.s32 $0x800, s19;
	[dreg:$0xc] =	wrdreg s26;
	(v2sf) =	vpush v1, $0x4  }
0x101: {  	s25 =	sadd.s32 $0x180, s19;
	[dreg:$0xa] =	wrdreg s30;
	s30 =	spop (v2sf)  }
0x102: {  	s2 =	sadd.s32 $0x100, s19;
	s26 =	sand.u32 $0x1FFFFFF0, s30;
	s1 =	spop (v2sf);
	(v2sf) =	vpush v63, $0x4  }
0x103: {  	s26 =	sadd.s32 s4, s26;
	s1 =	sand.u32 $0x1FFFFFF0, s1;
	s0 =	spop (v2sf)  }
0x104: {  	(v2sf) =	vpush v1, $0x5;
	[tilespmem:s2], [sflag:$0x1] =	stream.linear.gather [hbm4b:s26+s3], $0x80, $0x38;
	[tilespmem:$0x8100] =	vst v63  }
0x105: {  	s26 =	sadd.s32 s28, s1;
	s0 =	sand.u32 $0x1FFFFFF0, s0;
	s1 =	spop (v2sf)  }
0x106: {  	(v2sf) =	vpush v63, $0x5;
	[tilespmem:s23], [sflag:$0x2] =	stream.linear.gather [hbm4b:s26+s3], $0x80, $0x38;
	[tilespmem:$0x8100] =	vst v63  }
0x107: {  	s0 =	sadd.s32 s4, s0;
	s26 =	sand.u32 $0x1FFFFFF0, s1;
	s1 =	spop (v2sf)  }
0x108: {  	(v2sf) =	vpush v1, $0x6;
	[tilespmem:s25], [sflag:$0x1] =	stream.linear.gather [hbm4b:s0+s3], $0x80, $0x38;
	[tilespmem:$0x8100] =	vst v63  }
0x109: {  	s25 =	sadd.s32 s28, s26;
	s26 =	sand.u32 $0x1FFFFFF0, s1;
	s1 =	spop (v2sf)  }
0x10a: {  	(v2sf) =	vpush v63, $0x6;
	[tilespmem:s24], [sflag:$0x2] =	stream.linear.gather [hbm4b:s25+s3], $0x80, $0x38;
	[tilespmem:$0x8100] =	vst v63  }
0x10b: {  	s25 =	sadd.s32 s4, s26;
	s26 =	sand.u32 $0x1FFFFFF0, s1;
	s1 =	spop (v2sf)  }
0x10c: {  	(v2sf) =	vpush v1, $0x7;
	[tilespmem:s22], [sflag:$0x1] =	stream.linear.gather [hbm4b:s25+s3], $0x80, $0x38;
	[tilespmem:$0x8100] =	vst v63  }
0x10d: {  	s23 =	sand.u32 $0x1FFFFFF0, s1;
	s24 =	spop (v2sf);
	s22 =	sadd.s32 s28, s26  }
0x10e: {  	(v2sf) =	vpush v63, $0x7;
	[tilespmem:s21], [sflag:$0x2] =	stream.linear.gather [hbm4b:s22+s3], $0x80, $0x38;
	[tilespmem:$0x8100] =	vst v63  }
0x10f: {  	s25 =	sadd.s32 s4, s23;
	s26 =	sand.u32 $0x1FFFFFF0, s24;
	s1 =	spop (v2sf)  }
0x110: {  	(v2sf) =	vpush v1, $0x8;
	[tilespmem:s20], [sflag:$0x1] =	stream.linear.gather [hbm4b:s25+s3], $0x80, $0x38;
	[tilespmem:$0x8100] =	vst v63  }
0x111: {  	s23 =	sand.u32 $0x1FFFFFF0, s1;
	s22 =	sadd.s32 s28, s26;
	s24 =	spop (v2sf)  }
0x112: {  	(v2sf) =	vpush v63, $0x8;
	[tilespmem:s16], [sflag:$0x2] =	stream.linear.gather [hbm4b:s22+s3], $0x80, $0x38;
	[tilespmem:$0x8100] =	vst v63  }
0x113: {  	s25 =	sadd.s32 s4, s23;
	s26 =	sand.u32 $0x1FFFFFF0, s24;
	s1 =	spop (v2sf);
	(v2sf) =	vpush v1, $0x9  }
0x114: {  	[tilespmem:s10], [sflag:$0x1] =	stream.linear.gather [hbm4b:s25+s3], $0x80, $0x38;
	[tilespmem:$0x8100] =	vst v63  }
0x115: {  	s20 =	sand.u32 $0x1FFFFFF0, s1;
	s21 =	spop (v2sf);
	(v2sf) =	vpush v63, $0x9;
	s10 =	sadd.s32 s28, s26  }
0x116: {  	[tilespmem:s15], [sflag:$0x2] =	stream.linear.gather [hbm4b:s10+s3], $0x80, $0x38;
	[tilespmem:$0x8100] =	vst v63  }
0x117: {  	s22 =	sadd.s32 s4, s20;
	s23 =	sand.u32 $0x1FFFFFF0, s21;
	s24 =	spop (v2sf)  }
0x118: {  	(v2sf) =	vpush v1, $0xA;
	[tilespmem:s14], [sflag:$0x1] =	stream.linear.gather [hbm4b:s22+s3], $0x80, $0x38;
	[tilespmem:$0x8100] =	vst v63  }
0x119: {  	s25 =	sadd.s32 s28, s23;
	s26 =	sand.u32 $0x1FFFFFF0, s24;
	s1 =	spop (v2sf)  }
0x11a: {  	(v2sf) =	vpush v63, $0xA;
	[tilespmem:s9], [sflag:$0x2] =	stream.linear.gather [hbm4b:s25+s3], $0x80, $0x38;
	[tilespmem:$0x8100] =	vst v63  }
0x11b: {  	s14 =	sand.u32 $0x1FFFFFF0, s1;
	s15 =	spop (v2sf);
	s9 =	sadd.s32 s4, s26  }
0x11c: {  	[tilespmem:s8], [sflag:$0x1] =	stream.linear.gather [hbm4b:s9+s3], $0x80, $0x38;
	[tilespmem:$0x8100] =	vst v63  }
0x11d: {  	(v2sf) =	vpush v1, $0xB;
	s16 =	sadd.s32 s28, s14;
	s20 =	sand.u32 $0x1FFFFFF0, s15;
	s21 =	spop (v2sf)  }
0x11e: {  	[tilespmem:s7], [sflag:$0x2] =	stream.linear.gather [hbm4b:s16+s3], $0x80, $0x38;
	[tilespmem:$0x8100] =	vst v63  }
0x11f: {  	s29 =	sadd.s32 $0x4500, s19;
	(v2sf) =	vpush v63, $0xB;
	s22 =	sadd.s32 s4, s20;
	s24 =	spop (v2sf)  }
0x120: {  	[tilespmem:s6], [sflag:$0x1] =	stream.linear.gather [hbm4b:s22+s3], $0x80, $0x38;
	[tilespmem:$0x8100] =	vst v63  }
0x121: {  	s30 =	sadd.s32 $0x700, s19;
	s23 =	sand.u32 $0x1FFFFFF0, s21;
	(v2sf) =	vpush v1, $0xC;
	s1 =	spop (v2sf)  }
0x122: {  	s21 =	rddreg [dreg:$0xe];
	s25 =	sadd.s32 s28, s23;
	s9 =	spop (v2sf)  }
0x123: {  	[tilespmem:s5], [sflag:$0x2] =	stream.linear.gather [hbm4b:s25+s3], $0x80, $0x38;
	[tilespmem:$0x8100] =	vst v63  }
0x124: {  	s26 =	sand.u32 $0x1FFFFFF0, s24;
	s8 =	sand.u32 $0x1FFFFFF0, s1;
	s14 =	spop (v2sf)  }
0x125: {  	s7 =	sadd.s32 s4, s26;
	(v2sf) =	vpush v63, $0xC;
	s10 =	sadd.s32 s28, s8;
	s16 =	sand.u32 $0x1FFFFFF0, s14  }
0x126: {  	[tilespmem:s13], [sflag:$0x1] =	stream.linear.gather [hbm4b:s7+s3], $0x80, $0x38;
	[tilespmem:$0x8100] =	vst v63  }
0x127: {  	(v2sf) =	vpush v1, $0xD;
	s13 =	sand.u32 $0x1FFFFFF0, s9;
	s20 =	spop (v2sf);
	s22 =	sadd.s32 s28, s16  }
0x128: {  	[tilespmem:s29], [sflag:$0x2] =	stream.linear.gather [hbm4b:s10+s3], $0x80, $0x38;
	[tilespmem:$0x8100] =	vst v63  }
0x129: {  	(v2sf) =	vpush v63, $0xD;
	s9 =	rddreg [dreg:$0xb];
	s23 =	sand.u32 $0x1FFFFFF0, s20;
	s24 =	spop (v2sf)  }
0x12a: {  	s15 =	sadd.s32 s4, s13;
	s25 =	sadd.s32 s4, s23;
	s26 =	sand.u32 $0x1FFFFFF0, s24  }
0x12b: {  	[tilespmem:s21], [sflag:$0x1] =	stream.linear.gather [hbm4b:s15+s3], $0x80, $0x38;
	[tilespmem:$0x8100] =	vst v63  }
0x12c: {  	(v2sf) =	vpush v1, $0xE;
	s29 =	spop (v2sf);
	s6 =	sadd.s32 s28, s26;
	s15 =	rddreg [dreg:$0xd]  }
0x12d: {  	[tilespmem:s31], [sflag:$0x2] =	stream.linear.gather [hbm4b:s22+s3], $0x80, $0x38;
	[tilespmem:$0x8100] =	vst v63  }
0x12e: {  	(v2sf) =	vpush v63, $0xE;
	s7 =	sand.u32 $0x1FFFFFF0, s29;
	s8 =	spop (v2sf);
	s31 =	rddreg [dreg:$0xf]  }
0x12f: {  	[tilespmem:s31], [sflag:$0x1] =	stream.linear.gather [hbm4b:s25+s3], $0x80, $0x38;
	[tilespmem:$0x8100] =	vst v63  }
0x130: {  	(v2sf) =	vpush v1, $0xF;
	s10 =	sadd.s32 s4, s7;
	s13 =	sand.u32 $0x1FFFFFF0, s8;
	s14 =	spop (v2sf)  }
0x131: {  	[tilespmem:s9], [sflag:$0x2] =	stream.linear.gather [hbm4b:s6+s3], $0x80, $0x38;
	[tilespmem:$0x8100] =	vst v63  }
0x132: {  	(v2sf) =	vpush v63, $0xF;
	s22 =	rddreg [dreg:$0x9];
	s16 =	sadd.s32 s28, s13;
	s20 =	sand.u32 $0x1FFFFFF0, s14  }
0x133: {  	[tilespmem:s15], [sflag:$0x1] =	stream.linear.gather [hbm4b:s10+s3], $0x80, $0x38;
	[tilespmem:$0x8100] =	vst v63  }
0x134: {  	s23 =	sadd.s32 s4, s20;
	s31 =	rddreg [dreg:$0x7];
	s21 =	spop (v2sf)  }
0x135: {  	[tilespmem:s22], [sflag:$0x2] =	stream.linear.gather [hbm4b:s16+s3], $0x80, $0x38;
	[tilespmem:$0x8100] =	vst v63  }
0x136: {  	s9 =	rddreg [dreg:$0xc];
	s24 =	sand.u32 $0x1FFFFFF0, s21;
	s25 =	spop (v2sf)  }
0x137: {  	[tilespmem:s30], [sflag:$0x1] =	stream.linear.gather [hbm4b:s23+s3], $0x80, $0x38;
	[tilespmem:$0x8100] =	vst v63  }
0x138: {  	s15 =	rddreg [dreg:$0x6];
	s29 =	sand.u32 $0x1FFFFFF0, s25;
	s30 =	spop (v2sf)  }
0x139: {  	s26 =	sadd.s32 s28, s24;
	s6 =	sadd.s32 s4, s29;
	s7 =	sand.u32 $0x1FFFFFF0, s30  }
0x13a: {  	[tilespmem:s31], [sflag:$0x2] =	stream.linear.gather [hbm4b:s26+s3], $0x80, $0x38;
	[tilespmem:$0x8100] =	vst v63  }
0x13b: {  	s22 =	rddreg [dreg:$0xa];
	s8 =	spop (v2sf);
	s10 =	sadd.s32 s28, s7  }
0x13c: {  	[tilespmem:s9], [sflag:$0x1] =	stream.linear.gather [hbm4b:s6+s3], $0x80, $0x38;
	[tilespmem:$0x8100] =	vst v63  }
0x13d: {  	s13 =	sand.u32 $0x1FFFFFF0, s8;
	s14 =	spop (v2sf);
	s26 =	rddreg [dreg:$0x8]  }
0x13e: {  	[tilespmem:s15], [sflag:$0x2] =	stream.linear.gather [hbm4b:s10+s3], $0x80, $0x38;
	[tilespmem:$0x8100] =	vst v63  }
0x13f: {  	s16 =	sadd.s32 s4, s13;
	s20 =	sand.u32 $0x1FFFFFF0, s14;
	s21 =	spop (v2sf)  }
0x140: {  	[tilespmem:s22], [sflag:$0x1] =	stream.linear.gather [hbm4b:s16+s3], $0x80, $0x38;
	[tilespmem:$0x8100] =	vst v63  }
0x141: {  	s23 =	sadd.s32 s28, s20;
	s24 =	sand.u32 $0x1FFFFFF0, s21;
	s25 =	spop (v2sf)  }
0x142: {  	[tilespmem:s26], [sflag:$0x2] =	stream.linear.gather [hbm4b:s23+s3], $0x80, $0x38;
	[tilespmem:$0x8100] =	vst v63  }
0x143: {  	s29 =	sadd.s32 $0x880, s19;
	s1 =	sadd.s32 s4, s24;
	s2 =	sand.u32 $0x1FFFFFF0, s25  }
0x144: {  	[tilespmem:s29], [sflag:$0x1] =	stream.linear.gather [hbm4b:s1+s3], $0x80, $0x38;
	[tilespmem:$0x8100] =	vst v63  }
0x145: {  	s30 =	sadd.s32 $0x4880, s19;
	s31 =	sadd.s32 s28, s2  }
0x146: {  	[tilespmem:s30], [sflag:$0x2] =	stream.linear.gather [hbm4b:s31+s3], $0x80, $0x38;
	[tilespmem:$0x8100] =	vst v63  }
0x147: {  	s2 =	rddreg [dreg:$0x5];
	_ =	swait.ge [sflag:s11], $0x80  }
0x148: {  	[sflag:s11] =	ssyncset.done $0x0  }
0x149: {  	[sflag:s11] =	ssyncadd.s32 $0xFFFFFF80  }
0x14a: {  	_ =	swait.ge [sflag:s12], $0x80  }
0x14b: {  	[sflag:s12] =	ssyncset.done $0x0  }
0x14c: {  	[sflag:s12] =	ssyncadd.s32 $0xFFFFFF80  }
0x14d: {  	_ =	swait.ge [sflag:s11], $0x80  }
0x14e: {  	[sflag:s11] =	ssyncset.done $0x0  }
0x14f: {  	[sflag:s11] =	ssyncadd.s32 $0xFFFFFF80  }
0x150: {  	_ =	swait.ge [sflag:s12], $0x80  }
0x151: {  	[sflag:s12] =	ssyncset.done $0x0  }
0x152: {  	[sflag:s12] =	ssyncadd.s32 $0xFFFFFF80  }
0x153: {  	_ =	swait.ge [sflag:s11], $0x80  }
0x154: {  	[sflag:s11] =	ssyncset.done $0x0  }
0x155: {  	[sflag:s11] =	ssyncadd.s32 $0xFFFFFF80  }
0x156: {  	_ =	swait.ge [sflag:s12], $0x80  }
0x157: {  	[sflag:s12] =	ssyncset.done $0x0  }
0x158: {  	[sflag:s12] =	ssyncadd.s32 $0xFFFFFF80  }
0x159: {  	_ =	swait.ge [sflag:s11], $0x80  }
0x15a: {  	[sflag:s11] =	ssyncset.done $0x0  }
0x15b: {  	[sflag:s11] =	ssyncadd.s32 $0xFFFFFF80  }
0x15c: {  	_ =	swait.ge [sflag:s12], $0x80  }
0x15d: {  	[sflag:s12] =	ssyncset.done $0x0  }
0x15e: {  	[sflag:s12] =	ssyncadd.s32 $0xFFFFFF80  }
0x15f: {  	_ =	swait.ge [sflag:s11], $0x80  }
0x160: {  	[sflag:s11] =	ssyncset.done $0x0  }
0x161: {  	[sflag:s11] =	ssyncadd.s32 $0xFFFFFF80  }
0x162: {  	_ =	swait.ge [sflag:s12], $0x80  }
0x163: {  	[sflag:s12] =	ssyncset.done $0x0  }
0x164: {  	[sflag:s12] =	ssyncadd.s32 $0xFFFFFF80  }
0x165: {  	_ =	swait.ge [sflag:s11], $0x80  }
0x166: {  	[sflag:s11] =	ssyncset.done $0x0  }
0x167: {  	[sflag:s11] =	ssyncadd.s32 $0xFFFFFF80  }
0x168: {  	_ =	swait.ge [sflag:s12], $0x80  }
0x169: {  	[sflag:s12] =	ssyncset.done $0x0  }
0x16a: {  	[sflag:s12] =	ssyncadd.s32 $0xFFFFFF80  }
0x16b: {  	_ =	swait.ge [sflag:s11], $0x80  }
0x16c: {  	[sflag:s11] =	ssyncset.done $0x0  }
0x16d: {  	[sflag:s11] =	ssyncadd.s32 $0xFFFFFF80  }
0x16e: {  	_ =	swait.ge [sflag:s12], $0x80  }
0x16f: {  	[sflag:s12] =	ssyncset.done $0x0  }
0x170: {  	[sflag:s12] =	ssyncadd.s32 $0xFFFFFF80  }
0x171: {  	_ =	swait.ge [sflag:s11], $0x80  }
0x172: {  	[sflag:s11] =	ssyncset.done $0x0  }
0x173: {  	[sflag:s11] =	ssyncadd.s32 $0xFFFFFF80  }
0x174: {  	_ =	swait.ge [sflag:s12], $0x80  }
0x175: {  	[sflag:s12] =	ssyncset.done $0x0  }
0x176: {  	[sflag:s12] =	ssyncadd.s32 $0xFFFFFF80  }
0x177: {  	_ =	swait.ge [sflag:s11], $0x80  }
0x178: {  	[sflag:s11] =	ssyncset.done $0x0  }
0x179: {  	[sflag:s11] =	ssyncadd.s32 $0xFFFFFF80  }
0x17a: {  	_ =	swait.ge [sflag:s12], $0x80  }
0x17b: {  	[sflag:s12] =	ssyncset.done $0x0  }
0x17c: {  	[sflag:s12] =	ssyncadd.s32 $0xFFFFFF80  }
0x17d: {  	_ =	swait.ge [sflag:s11], $0x80  }
0x17e: {  	[sflag:s11] =	ssyncset.done $0x0  }
0x17f: {  	[sflag:s11] =	ssyncadd.s32 $0xFFFFFF80  }
0x180: {  	_ =	swait.ge [sflag:s12], $0x80  }
0x181: {  	[sflag:s12] =	ssyncset.done $0x0  }
0x182: {  	[sflag:s12] =	ssyncadd.s32 $0xFFFFFF80  }
0x183: {  	_ =	swait.ge [sflag:s11], $0x80  }
0x184: {  	[sflag:s11] =	ssyncset.done $0x0  }
0x185: {  	[sflag:s11] =	ssyncadd.s32 $0xFFFFFF80  }
0x186: {  	_ =	swait.ge [sflag:s12], $0x80  }
0x187: {  	[sflag:s12] =	ssyncset.done $0x0  }
0x188: {  	[sflag:s12] =	ssyncadd.s32 $0xFFFFFF80  }
0x189: {  	_ =	swait.ge [sflag:s11], $0x80  }
0x18a: {  	[sflag:s11] =	ssyncset.done $0x0  }
0x18b: {  	[sflag:s11] =	ssyncadd.s32 $0xFFFFFF80  }
0x18c: {  	_ =	swait.ge [sflag:s12], $0x80  }
0x18d: {  	[sflag:s12] =	ssyncset.done $0x0  }
0x18e: {  	[sflag:s12] =	ssyncadd.s32 $0xFFFFFF80  }
0x18f: {  	_ =	swait.ge [sflag:s11], $0x80  }
0x190: {  	[sflag:s11] =	ssyncset.done $0x0  }
0x191: {  	p0 =	sne.s32 s17, $0xE000;
	[sflag:s11] =	ssyncadd.s32 $0xFFFFFF80  }
.Ltmp0:
0x192: {  	_ =	swait.ge [sflag:s12], $0x80;
	(pc) =	sbr.rel @p0 .LBB2_2-.Ltmp0, $4  }
0x193: {  	[sflag:s12] =	ssyncset.done $0x0  }
0x194: {  	[sflag:s12] =	ssyncadd.s32 $0xFFFFFF80  }
0x195: {  	_ =	swait.ge [sflag:s11], $0x80  }
0x196: {  	s17 =	sadd.s32 $0x2000, s17;
	[sflag:s11] =	ssyncset.done $0x0  }
0x197: {  	[sflag:s11] =	ssyncadd.s32 $0xFFFFFF80  }
0x198: {  	_ =	swait.ge [sflag:s12], $0x80  }
0x199: {  	[sflag:s12] =	ssyncset.done $0x0  }
0x19a: {  	[sflag:s12] =	ssyncadd.s32 $0xFFFFFF80  }
0x19b: {  	_ =	swait.ge [sflag:s11], $0x80  }
0x19c: {  	[sflag:s11] =	ssyncset.done $0x0  }
0x19d: {  	[sflag:s11] =	ssyncadd.s32 $0xFFFFFF80  }
0x19e: {  	_ =	swait.ge [sflag:s12], $0x80  }
0x19f: {  	[sflag:s12] =	ssyncset.done $0x0  }
0x1a0: {  	[sflag:s12] =	ssyncadd.s32 $0xFFFFFF80  }
0x1a1: {  	_ =	swait.ge [sflag:s11], $0x80  }
0x1a2: {  	[sflag:s11] =	ssyncset.done $0x0  }
0x1a3: {  	[sflag:s11] =	ssyncadd.s32 $0xFFFFFF80  }
0x1a4: {  	_ =	swait.ge [sflag:s12], $0x80  }
0x1a5: {  	[sflag:s12] =	ssyncset.done $0x0  }
0x1a6: {  	s1 =	simm.s32 $0x100;
	s0 =	rddreg [dreg:$0x12];
	[sflag:s12] =	ssyncadd.s32 $0xFFFFFF80  }
0x1a7: {  	[hbm4b:s0+s3] =	stream.linear.scatter [tilespmem:s1], [sflag:$0x3], $0x4000, $0x38;
	[tilespmem:$0x8100] =	vst v63  }
0x1a8: {  	s1 =	simm.s32 $0x3  }
0x1a9: {  	_ =	swait.ge [sflag:s1], $0x4000  }
0x1aa: {  	[sflag:s1] =	ssyncset.done $0x0  }
0x1ab: {  	s2 =	simm.s32 $0x4100;
	s29 =	rddreg [dreg:$0x13];
	[sflag:s1] =	ssyncadd.s32 $0xFFFFC000  }
0x1ac: {  	[hbm4b:s29+s3] =	stream.linear.scatter [tilespmem:s2], [sflag:$0x3], $0x4000, $0x38;
	[tilespmem:$0x8100] =	vst v63  }
0x1ad: {  	_ =	swait.ge [sflag:s1], $0x4000  }
0x1ae: {  	s30 =	rddreg [dreg:$0x15]  }
0x1af: {  	s31 =	rddreg [dreg:$0x14];
	s2 =	sadd.s32 $0x1, s30  }
0x1b0: {  	p0 =	sne.s32 s2, s31  }
.Ltmp1:
0x1b1: {  	_ = 	snop;
	(pc) =	sbr.rel @p0 .LBB2_1-.Ltmp1, $3  }
0x1b2: {  	_ =	sdelay $0x1  }
0x1b3: {  	[sflag:s1] =	ssyncset.done $0x0  }
0x1b4: {  	[sflag:s1] =	ssyncadd.s32 $0xFFFFC000  }
0x1b5: {  	_ =	sfence.sel $0x180000  }
0x1b6: {  	[bflag:$0x0] =	sbarrier.arrive $0xFFFF  }
0x1b7: {  	_ =	strace $0x9000004A  }
0x1b8: {  	s0 =	stileid.u32;
	[bflag:$0x2] =	sbarrier.arrive $0xFFFF  }
0x1b9: {  	p0 =	sne.s32 s0, $0x0;
	s0 =	rddreg [dreg:$0x4]  }
0x1ba: {  	s0 =	sadd.s32 @!p0 $0x100000, s0  }
0x1bb: {  	[sflag:s0] =	ssyncadd.tile.s32 @!p0 $0x1;
	_ =	shalt  }
.Lfunc_end2:
_tile_overlayer_lowered:
.L_overlay_start_2:
0x1bc: {  	(tag) =	ssettag $0x2  }
0x1bd: {  	s0 =	rddreg [dreg:$0x0];
	s2 =	stileid.u32  }
0x1be: {  	s1 =	rddreg [dreg:$0x1];
	p0 =	sne.s32 s2, $0x0  }
0x1bf: {  	s3 =	rddreg [dreg:$0x2];
	[bflag:$0x3] =	sbarrier.arrive $0xFFFF;
	s2 =	simm.s32 @!p0 $0x1C03  }
0x1c0: {  	[timem:s3], [sflag:s2] =	dma.local @!p0 [hbm:s0], s1  }
0x1c1: {  	s0 =	simm.s32 @!p0 $0x3  }
0x1c2: {  	_ =	swait.ge @!p0 [sflag:s0], s1  }
0x1c3: {  	s1 =	ssub.s32 @!p0 $0x0, s1;
	[sflag:s0] =	ssyncset.done @!p0 $0x0  }
0x1c4: {  	[sflag:s0] =	ssyncadd.s32 @!p0 s1  }
0x1c5: {  	[bflag:$0x3] =	sbarrier.arrive $0xFFFF  }
0x1c6: {  	_ =	shalt  }

// kernel: kernel.9.cloned.1.call-start
scs
__scs_entry_jumppad:
0x0: {  	(pc) =	sbr.rel $0x88, $3  }
0x1: {  	(tag) =	ssettag $0x0;
	lr =	simm.s32 $0x1  }
0x2: {  	[smem:$0x3F9A] =	sst lr;
	_ =	strace $0xD0000000  }
0x3: {  	_ = 	snop  }
0x4: {  	_ = 	snop  }
0x5: {  	_ = 	snop  }
0x6: {  	_ = 	snop  }
0x7: {  	_ = 	snop  }
__scs_overlays_trampoline_lowered:
0x8: {  	[smem:$0x3FA9] =	sst s0  }
0x9: {  	[smem:$0x3FAA] =	sst s1  }
0xa: {  	[smem:$0x3FAB] =	sst s2  }
0xb: {  	[smem:$0x3FAC] =	sst s3  }
0xc: {  	[smem:$0x3FAD] =	sst s4  }
0xd: {  	[smem:$0x3FAE] =	sst s5  }
0xe: {  	[smem:$0x3FAF] =	sst s6  }
0xf: {  	[smem:$0x3FB0] =	sst s7  }
0x10: {  	[smem:$0x3FB1] =	sst s8  }
0x11: {  	[smem:$0x3FB2] =	sst s9;
	s0 =	simm.s32 @!p0 $0x0  }
0x12: {  	s1 =	sld [smem:$0x3F98];
	s0 =	simm.s32 @p0 $0x1  }
0x13: {  	[smem:$0x3FB3] =	sst s0;
	s0 =	simm.s32 @!p1 $0x0  }
0x14: {  	s2 =	sld [smem:$0x3F97];
	s0 =	simm.s32 @p1 $0x1  }
0x15: {  	[smem:$0x3FB4] =	sst s0;
	s0 =	simm.s32 @!p2 $0x0  }
0x16: {  	s3 =	sld [smem:$0x3FDB];
	s0 =	simm.s32 @p2 $0x1  }
0x17: {  	s4 =	simm.s32 $0x1BF5;
	[smem:$0x3FB6] =	sst s0  }
0x18: {  	s0 =	sld [smem:$0x3F99];
	_ =	swait.ge [sflag:s4], $0x0  }
0x19: {  	s7 =	sld [smem:$0x3F9A]  }
0x1a: {  	s8 =	sadd.s32 $0xFFFFE003, lr  }
0x1b: {  	s9 =	sadd.s32 $0xFFFFFEF7, lr;
	s5 =	simm.s32 $0xFFFFFFFF;
	p2 =	slt.u32 s8, $0xFFFFF086  }
0x1c: {  	p1 =	slt.u32 s9, $0xF7A;
	s5 =	simm.s32 @!p2 $0x0  }
0x1d: {  	s5 =	simm.s32 @p1 $0x1;
	p0 =	seq.s32 s7, s2  }
0x1e: {  	s7 =	smul.u32 @!p0 $0xF7A, s2;
	p2 =	seq.s32 @!p0 s5, $0x0  }
0x1f: {  	s9 =	smul.u32 $0xF7A, s1;
	s8 =	simm.s32 @!p0 $0x1BF5;
	p2 =	por !p2, p0  }
0x20: {  	[sflag:s8] =	ssyncset.s32 @!p0 $0xFFFFF086;
	s6 =	sadd.s32 @!p0 s3, s7;
	s7 =	simm.s32 @!p0 $0x108  }
0x21: {  	s3 =	sadd.s32 s3, s9;
	s6 =	sadd.s32 @!p0 $0x88, s6;
	s7 =	simm.s32 @p2 $0x1082  }
0x22: {  	[simem:s7], [sflag:s8] =	dma.local @!p0 [hbm:s6], $0xF7A  }
0x23: {  	s9 =	sor.u32 $0xD0000000, s2;
	s6 =	simm.s32 $0x108;
	_ =	swait.ge @!p0 [sflag:s8], $0x0  }
0x24: {  	s3 =	sadd.s32 $0x88, s3;
	s6 =	simm.s32 @!p1 $0x1082;
	[sflag:s4] =	ssyncset.s32 $0xFFFFF086  }
0x25: {  	[simem:s6], [sflag:s4] =	dma.local [hbm:s3], $0xF7A  }
0x26: {  	[smem:$0x3F9A] =	sst s1;
	(tag) =	ssettag s2;
	_ =	strace s9  }
0x27: {  	s1 =	sld [smem:$0x3FAA]  }
0x28: {  	s2 =	sld [smem:$0x3FAB]  }
0x29: {  	s4 =	sld [smem:$0x3FAD]  }
0x2a: {  	p0 =	seq.s32 s5, $0x0;
	s5 =	sld [smem:$0x3FAE]  }
0x2b: {  	s6 =	sld [smem:$0x3FAF]  }
0x2c: {  	s7 =	sld [smem:$0x3FB0]  }
0x2d: {  	s3 =	simm.s32 $0x108;
	s8 =	sld [smem:$0x3FB1]  }
0x2e: {  	s3 =	simm.s32 @!p0 $0x1082;
	s9 =	sld [smem:$0x3FB2]  }
0x2f: {  	lr =	sadd.s32 s0, s3;
	s0 =	sld [smem:$0x3FA9]  }
0x30: {  	s3 =	sld [smem:$0x3FAC]  }
0x31: {  	[smem:$0x3FB5] =	sst s10  }
0x32: {  	s10 =	sld [smem:$0x3FB3];
	_ =	sdelay $0x3  }
0x33: {  	p0 =	seq.s32 s10, $0x1;
	s10 =	sld [smem:$0x3FB5];
	_ =	sdelay $0x3  }
0x34: {  	[smem:$0x3FB5] =	sst s10  }
0x35: {  	s10 =	sld [smem:$0x3FB4];
	_ =	sdelay $0x3  }
0x36: {  	p1 =	seq.s32 s10, $0x1;
	s10 =	sld [smem:$0x3FB5];
	_ =	sdelay $0x3  }
0x37: {  	[smem:$0x3FB5] =	sst s10  }
0x38: {  	s10 =	sld [smem:$0x3FB6]  }
0x39: {  	_ = 	snop;
	(pc) =	sbr.ind lr, $3  }
0x3a: {  	_ = 	snop  }
0x3b: {  	_ = 	snop  }
0x3c: {  	p2 =	seq.s32 s10, $0x1;
	s10 =	sld [smem:$0x3FB5]  }
0x3d: {  	_ =	shalt  }
0x3e: {  	_ =	shalt  }
0x3f: {  	_ =	shalt  }
0x40: {  	_ =	shalt  }
0x41: {  	_ =	shalt  }
0x42: {  	_ =	shalt  }
0x43: {  	_ =	shalt  }
0x44: {  	_ =	shalt  }
0x45: {  	_ =	shalt  }
0x46: {  	_ =	shalt  }
0x47: {  	_ =	shalt  }
0x48: {  	_ =	shalt  }
0x49: {  	_ =	shalt  }
0x4a: {  	_ =	shalt  }
0x4b: {  	_ =	shalt  }
0x4c: {  	_ =	shalt  }
0x4d: {  	_ =	shalt  }
0x4e: {  	_ =	shalt  }
0x4f: {  	_ =	shalt  }
0x50: {  	_ =	shalt  }
0x51: {  	_ =	shalt  }
0x52: {  	_ =	shalt  }
0x53: {  	_ =	shalt  }
0x54: {  	_ =	shalt  }
0x55: {  	_ =	shalt  }
0x56: {  	_ =	shalt  }
0x57: {  	_ =	shalt  }
0x58: {  	_ =	shalt  }
0x59: {  	_ =	shalt  }
0x5a: {  	_ =	shalt  }
0x5b: {  	_ =	shalt  }
0x5c: {  	_ =	shalt  }
0x5d: {  	_ =	shalt  }
0x5e: {  	_ =	shalt  }
0x5f: {  	_ =	shalt  }
0x60: {  	_ =	shalt  }
0x61: {  	_ =	shalt  }
0x62: {  	_ =	shalt  }
0x63: {  	_ =	shalt  }
0x64: {  	_ =	shalt  }
0x65: {  	_ =	shalt  }
0x66: {  	_ =	shalt  }
0x67: {  	_ =	shalt  }
0x68: {  	_ =	shalt  }
0x69: {  	_ =	shalt  }
0x6a: {  	_ =	shalt  }
0x6b: {  	_ =	shalt  }
0x6c: {  	_ =	shalt  }
0x6d: {  	_ =	shalt  }
0x6e: {  	_ =	shalt  }
0x6f: {  	_ =	shalt  }
0x70: {  	_ =	shalt  }
0x71: {  	_ =	shalt  }
0x72: {  	_ =	shalt  }
0x73: {  	_ =	shalt  }
0x74: {  	_ =	shalt  }
0x75: {  	_ =	shalt  }
0x76: {  	_ =	shalt  }
0x77: {  	_ =	shalt  }
0x78: {  	_ =	shalt  }
0x79: {  	_ =	shalt  }
0x7a: {  	_ =	shalt  }
0x7b: {  	_ =	shalt  }
0x7c: {  	_ =	shalt  }
0x7d: {  	_ =	shalt  }
0x7e: {  	_ =	shalt  }
0x7f: {  	_ =	shalt  }
0x80: {  	_ =	shalt  }
0x81: {  	_ =	shalt  }
0x82: {  	_ =	shalt  }
0x83: {  	_ =	shalt  }
0x84: {  	_ =	shalt  }
0x85: {  	_ =	shalt  }
0x86: {  	_ =	shalt  }
0x87: {  	_ =	shalt  }
.Lfunc_end0:
.L_simem_size_0:
called_computation.1_lowered:
.L_overlay_start_0:
0x88: {  	s2 =	sld [smem:$0x3FD9]  }
0x89: {  	s3 =	sld [smem:$0x3FFE];
	_ =	sdelay $0x1  }
0x8a: {  	s1 =	srdreg.scid  }
0x8b: {  	s0 =	sand.u32 $0x1, s1  }
0x8c: {  	s17 =	sshll.u32 s0, $0xA;
	s2 =	sadd.s32 s3, s2  }
0x8d: {  	s2 =	sadd.s32 s2, s17  }
0x8e: {  	[smem:$0x3FC1] =	sst s2  }
0x8f: {  	_ = 	snop  }
0x90: {  	s2 =	sld [smem:$0x3FC9]  }
0x91: {  	s18 =	sld [smem:$0x3FC8];
	(tm) =	ssettm $0x1  }
0x92: {  	s4 =	sld [smem:$0x3FFB];
	_ =	sdelay $0x3  }
0x93: {  	_ =	strace s4  }
0x94: {  	s4 =	sld [smem:$0x3FFC];
	_ =	sdelay $0x3  }
0x95: {  	_ =	strace s4  }
0x96: {  	s4 =	sld [smem:$0x3FFD];
	_ =	sdelay $0x3  }
0x97: {  	_ =	strace s4  }
0x98: {  	_ =	strace $0x8FFFFFFF  }
0x99: {  	s19 =	sld [smem:$0x3FDB];
	_ =	sdelay $0x1  }
0x9a: {  	s5 =	simm.s32 $_scs_section_size  }
0x9b: {  	s6 =	simm.s32 $_size__tile_overlayer_lowered;
	s7 =	simm.s32 $_tile_overlayer_lowered  }
0x9c: {  	s22 =	simm.s32 $0x1BFF;
	s21 =	sshll.u32 s7, $0x1;
	s4 =	sadd.s32 s5, s19  }
0x9d: {  	s8 =	simm.s32 $0x0;
	s20 =	sshll.u32 s6, $0x1;
	s6 =	sadd.s32 s21, s4  }
0x9e: {  	[timem:s8], [sflag:s22] =	dma.local [hbm:s6], s20  }
0x9f: {  	_ =	swait.ge [sflag:s22], s20  }
0xa0: {  	s5 =	ssub.s32 $0x0, s20;
	[sflag:s22] =	ssyncset.done $0x0  }
0xa1: {  	[sflag:s22] =	ssyncadd.s32 s5;
	_ =	sdelay $0x1  }
0xa2: {  	s23 =	simm.s32 $0x1B8B  }
0xa3: {  	_ =	swait.ge [sflag:s23], $0x1  }
0xa4: {  	[sflag:s23] =	ssyncset.done $0x0  }
0xa5: {  	s25 =	simm.s32 $0x1B8E;
	s24 =	sld [smem:$0x3FFE];
	[sflag:s23] =	ssyncadd.s32 $0xFFFFFFFF  }
0xa6: {  	s26 =	simm.s32 $execute0_lowered;
	[smem:$0x3FD2] =	sst s25  }
0xa7: {  	s6 =	sshll.u32 s26, $0x1;
	_ =	strace $0x80000046;
	[dreg:$0x1] =	wrdreg $0xFFFFFFFF  }
0xa8: {  	s28 =	simm.s32 $_size_execute0_lowered;
	s4 =	sadd.s32 s4, s6;
	[dreg:$0x0] =	wrdreg $0x0  }
0xa9: {  	s6 =	sshll.u32 s28, $0x1;
	[dreg:$0x2] =	wrdreg s4  }
0xaa: {  	[dreg:$0x3] =	wrdreg s6  }
0xab: {  	[dreg:$0x4] =	wrdreg $0xC0  }
0xac: {  	_ =	task [dreg:s8], $0x5FFFF  }
0xad: {  	[dreg:$0x1] =	wrdreg $0xFFFFFFFF  }
0xae: {  	[dreg:$0x0] =	wrdreg $0x60  }
0xaf: {  	[dreg:$0x2] =	wrdreg s2  }
0xb0: {  	[dreg:$0x3] =	wrdreg s18  }
0xb1: {  	[dreg:$0x4] =	wrdreg s24  }
0xb2: {  	[dreg:$0x5] =	wrdreg $0xA  }
0xb3: {  	_ =	task.clear_ibuf [dreg:s8], $0x6FFFF;
	_ =	strace $0x90000046  }
0xb4: {  	s29 =	simm.s32 $0xA;
	_ =	strace $0x80000048  }
0xb5: {  	_ =	swait.ge [sflag:s29], $0x1  }
0xb6: {  	[sflag:s29] =	ssyncadd.s32 $0xFFFFFFFF  }
0xb7: {  	_ =	strace $0x90000048  }
0xb8: {  	_ =	sfence  }
0xb9: {  	s30 =	sld [smem:$0x0];
	_ =	sdelay $0x2  }
0xba: {  	s31 =	sshll.u32 s1, $0xD;
	s1 =	sshrl.u32 s1, $0x2  }
0xbb: {  	s3 =	sand.u32 $0x4000, s31;
	s1 =	sadd.s32 s1, s30  }
0xbc: {  	s0 =	sor.u32 s3, s0;
	s1 =	sshll.u32 s1, $0x11  }
0xbd: {  	s0 =	sor.u32 s1, s0  }
0xbe: {  	s0 =	sadd.s32 $0x8F2B, s0  }
0xbf: {  	[sflag:s0] =	ssyncadd.remote.s32 $0x1  }
0xc0: {  	_ =	sfence.sel $0xFFFF  }
0xc1: {  	[dreg:$0x0] =	wrdreg $0xFFFFFFFF;
	(pc) =	sbr.abs _section_cstart, $3  }
0xc2: {  	[dreg:$0x1] =	wrdreg $0xFFFFFFFF  }
0xc3: {  	_ =	task.clear_ibuf [dreg:s8], $0x2FFFF;
	_ =	strace $0x9FFFFFFF  }
0xc4: {  	(tm) =	ssettm $0x7FFFFFFF  }
0xc5: {  	_ =	shalt  }
tec
execute0_lowered:
.L_overlay_start_1:
0x0: {  	(tag) =	ssettag $0x1  }
0x1: {  	s3 =	rddreg [dreg:$0x0]  }
0x2: {  	s5 =	rddreg [dreg:$0x1]  }
0x3: {  	s12 =	rddreg [dreg:$0x2];
	s2 =	srdreg.scid  }
0x4: {  	s0 =	rddreg [dreg:$0x3];
	s1 =	stileid.u32;
	s13 =	sand.u32 $0x1, s2  }
0x5: {  	s2 =	simm.s32 $0x0;
	s4 =	sshll.u32 s1, $0x5;
	s6 =	sshll.u32 s13, $0x4  }
0x6: {  	[smem:$0x7FF] =	sst s2;
	s14 =	sor.u32 s6, s4  }
0x7: {  	_ =	strace $0x80000047;
	s4 =	sadd.s32 s3, s14;
	s3 =	simm.s32 $0x2  }
0x8: {  	[tilespmem:s2], [sflag:$0x2] =	stream.linear.gather [hbm4b:s4+s2], $0x80, $0x38;
	[tilespmem:$0x200] =	vst v63  }
0x9: {  	_ =	swait.ge [sflag:s3], $0x80  }
0xa: {  	[sflag:s3] =	ssyncset.done $0x0  }
0xb: {  	s6 =	simm.s32 $0x80;
	s5 =	sadd.s32 s5, s14;
	[sflag:s3] =	ssyncadd.s32 $0xFFFFFF80  }
0xc: {  	[tilespmem:s6], [sflag:$0x2] =	stream.linear.gather [hbm4b:s5+s2], $0x80, $0x38;
	[tilespmem:$0x200] =	vst v63  }
0xd: {  	_ =	swait.ge [sflag:s3], $0x80  }
0xe: {  	s8 =	simm.s32 $0x100;
	[sflag:s3] =	ssyncset.done $0x0  }
0xf: {  	s9 =	simm.s32 $0x1;
	s7 =	sadd.s32 $0xE00, s12;
	[sflag:s3] =	ssyncadd.s32 $0xFFFFFF80  }
0x10: {  	[tilespmem:s8], [sflag:$0x1] =	stream.indirect.gather [hbm4b:s7+s6], $0x1, s2, s6, $0xb8;
	[tilespmem:$0x200] =	vst v63  }
0x11: {  	_ =	swait.ge [sflag:s9], $0x80  }
0x12: {  	s11 =	simm.s32 $0x180;
	[sflag:s9] =	ssyncset.done $0x0  }
0x13: {  	s10 =	sadd.s32 $0x1F800, s12;
	s13 =	ssub.s32 $0x2, s13;
	[sflag:s9] =	ssyncadd.s32 $0xFFFFFF80  }
0x14: {  	[tilespmem:s11], [sflag:$0x1] =	stream.indirect.gather [hbm4b:s10+s6], $0x1, s6, s6, $0xb8;
	[tilespmem:$0x200] =	vst v63  }
0x15: {  	s15 =	sshrl.u32 s13, $0x1;
	_ =	swait.ge [sflag:s9], $0x80  }
0x16: {  	s14 =	sadd.s32 s14, s12;
	s15 =	ssub.s32 s13, s15;
	[sflag:s9] =	ssyncset.done $0x0  }
0x17: {  	s12 =	sadd.s32 $0x22A00, s14;
	s31 =	smax.u32 s15, $0x1;
	[sflag:s9] =	ssyncadd.s32 $0xFFFFFF80  }
0x18: {  	[hbm4b:s12+s2] =	stream.linear.scatter [tilespmem:s8], [sflag:$0x2], $0x80, $0x38;
	[tilespmem:$0x200] =	vst v63  }
0x19: {  	p0 =	sne.s32 s31, $0x1;
	_ =	swait.ge [sflag:s3], $0x80  }
.Ltmp0:
0x1a: {  	[sflag:s3] =	ssyncset.done $0x0;
	(pc) =	sbr.rel @!p0 .LBB2_2-.Ltmp0, $4  }
0x1b: {  	s13 =	sadd.s32 $0x22C00, s14;
	[sflag:s3] =	ssyncadd.s32 $0xFFFFFF80  }
0x1c: {  	[hbm4b:s13+s2] =	stream.linear.scatter [tilespmem:s11], [sflag:$0x2], $0x80, $0x38;
	[tilespmem:$0x200] =	vst v63  }
0x1d: {  	_ =	swait.ge [sflag:s3], $0x80  }
0x1e: {  	s14 =	sadd.s32 $0xFFFFFFFF, s31;
	[sflag:s3] =	ssyncset.done $0x0  }
.LBB2_1:
0x1f: {  	p0 =	sne.s32 s14, $0x1;
	s14 =	sadd.s32 $0xFFFFFFFF, s14;
	[sflag:s3] =	ssyncadd.s32 $0xFFFFFF80  }
0x20: {  	[tilespmem:s2], [sflag:$0x2] =	stream.linear.gather [hbm4b:s4+s2], $0x80, $0x38;
	[tilespmem:$0x200] =	vst v63  }
0x21: {  	_ =	swait.ge [sflag:s3], $0x80  }
0x22: {  	[sflag:s3] =	ssyncset.done $0x0  }
0x23: {  	[sflag:s3] =	ssyncadd.s32 $0xFFFFFF80  }
0x24: {  	[tilespmem:s6], [sflag:$0x2] =	stream.linear.gather [hbm4b:s5+s2], $0x80, $0x38;
	[tilespmem:$0x200] =	vst v63  }
0x25: {  	_ =	swait.ge [sflag:s3], $0x80  }
0x26: {  	[sflag:s3] =	ssyncset.done $0x0  }
0x27: {  	[sflag:s3] =	ssyncadd.s32 $0xFFFFFF80  }
0x28: {  	[tilespmem:s8], [sflag:$0x1] =	stream.indirect.gather [hbm4b:s7+s6], $0x1, s2, s6, $0xb8;
	[tilespmem:$0x200] =	vst v63  }
0x29: {  	_ =	swait.ge [sflag:s9], $0x80  }
0x2a: {  	[sflag:s9] =	ssyncset.done $0x0  }
0x2b: {  	[sflag:s9] =	ssyncadd.s32 $0xFFFFFF80  }
0x2c: {  	[tilespmem:s11], [sflag:$0x1] =	stream.indirect.gather [hbm4b:s10+s6], $0x1, s6, s6, $0xb8;
	[tilespmem:$0x200] =	vst v63  }
0x2d: {  	_ =	swait.ge [sflag:s9], $0x80  }
0x2e: {  	[sflag:s9] =	ssyncset.done $0x0  }
0x2f: {  	[sflag:s9] =	ssyncadd.s32 $0xFFFFFF80  }
0x30: {  	[hbm4b:s12+s2] =	stream.linear.scatter [tilespmem:s8], [sflag:$0x2], $0x80, $0x38;
	[tilespmem:$0x200] =	vst v63  }
0x31: {  	_ =	swait.ge [sflag:s3], $0x80  }
.Ltmp1:
0x32: {  	[sflag:s3] =	ssyncset.done $0x0;
	(pc) =	sbr.rel @p0 .LBB2_1-.Ltmp1, $4  }
0x33: {  	[sflag:s3] =	ssyncadd.s32 $0xFFFFFF80  }
0x34: {  	[hbm4b:s13+s2] =	stream.linear.scatter [tilespmem:s11], [sflag:$0x2], $0x80, $0x38;
	[tilespmem:$0x200] =	vst v63  }
0x35: {  	_ =	swait.ge [sflag:s3], $0x80  }
0x36: {  	[sflag:s3] =	ssyncset.done $0x0  }
.LBB2_2:
0x37: {  	[sflag:s3] =	ssyncadd.s32 $0xFFFFFF80  }
0x38: {  	_ =	sfence.sel $0x180000  }
0x39: {  	[bflag:$0x0] =	sbarrier.arrive $0xFFFF  }
0x3a: {  	p0 =	sne.s32 s1, $0x0;
	_ =	strace $0x90000047  }
0x3b: {  	s0 =	sadd.s32 @!p0 $0x100000, s0;
	[bflag:$0x2] =	sbarrier.arrive $0xFFFF  }
0x3c: {  	[sflag:s0] =	ssyncadd.tile.s32 @!p0 $0x1;
	_ =	shalt  }
.Lfunc_end2:
_tile_overlayer_lowered:
.L_overlay_start_2:
0x3d: {  	(tag) =	ssettag $0x2  }
0x3e: {  	s0 =	rddreg [dreg:$0x0];
	s2 =	stileid.u32  }
0x3f: {  	s1 =	rddreg [dreg:$0x1];
	p0 =	sne.s32 s2, $0x0  }
0x40: {  	s3 =	rddreg [dreg:$0x2];
	[bflag:$0x3] =	sbarrier.arrive $0xFFFF;
	s2 =	simm.s32 @!p0 $0x1C02  }
0x41: {  	[timem:s3], [sflag:s2] =	dma.local @!p0 [hbm:s0], s1  }
0x42: {  	s0 =	simm.s32 @!p0 $0x2  }
0x43: {  	_ =	swait.ge @!p0 [sflag:s0], s1  }
0x44: {  	s1 =	ssub.s32 @!p0 $0x0, s1;
	[sflag:s0] =	ssyncset.done @!p0 $0x0  }
0x45: {  	[sflag:s0] =	ssyncadd.s32 @!p0 s1  }
0x46: {  	[bflag:$0x3] =	sbarrier.arrive $0xFFFF  }
0x47: {  	_ =	shalt  }

</sc_bundles>
